<compile_context>
chip_gen: v7x
topology: tpu7x:2x2x1
jax: 0.10.2.dev20260603
libtpu: 0.0.44.dev20260713+nightly
codegen_flags: <defaults>
</compile_context>

<pallas_src>
import functools
import math

import jax
import jax.numpy as jnp
from jax import lax
from jax.experimental import pallas as pl
from jax.experimental.pallas import tpu as pltpu
from jax.experimental.pallas import tpu_sc as plsc

N_NODES = 10000
N_EDGES = 320000
FEATS = 128
R_MAX = 5.0
GAP = R_MAX / FEATS
COEFF = -0.5 / (GAP * GAP)
NEG_BIG = -1e30
LOG2 = math.log(2.0)
INV_LN2 = 1.0 / math.log(2.0)
COEFF2 = COEFF * INV_LN2
_P = (4.8863580e-08, 1.4426868e+00, -7.2111464e-01, 4.7832355e-01,
      -3.4599602e-01, 2.3923166e-01, -1.3453425e-01, 5.0277509e-02,
      -8.8746967e-03)

EB = 4000
NB = 2000

NSUB = 16
TPB = N_EDGES // NSUB
SB = 80
CH = 80
NCH = TPB // CH
NBUF = 4
RPT = 624


def _k0_body(d_ref, out_ref):
    d = d_ref[:]
    c = 0.5 * (jnp.cos(jnp.pi * d / R_MAX) + 1.0)
    c = jnp.where(d < R_MAX, c, 0.0)
    out_ref[:] = jnp.where(c > 0, 2.0 * INV_LN2 * jnp.log(c), NEG_BIG)


def _k0(dm):
    return pl.pallas_call(
        _k0_body,
        out_shape=jax.ShapeDtypeStruct(dm.shape, jnp.float32),
    )(dm)


def _k1_body(d_ref, lc2_ref, h_ref, mu_ref, out_ref):
    d = d_ref[:]
    lc2 = lc2_ref[:]
    eh = h_ref[:]
    mu = mu_ref[:]
    diff = d - mu
    lbf2 = COEFF2 * diff * diff
    bits = jax.lax.bitcast_convert_type(eh, jnp.int32) & 0x7FFFFFFF
    ex = jax.lax.shift_right_logical(bits, 23)
    t = jax.lax.bitcast_convert_type((bits & 0x7FFFFF) | 0x3F800000,
                                     jnp.float32) - 1.0
    p = _P[8]
    for k in range(7, -1, -1):
        p = p * t + _P[k]
    lg = (ex.astype(jnp.float32) + p) + (lbf2 + (lc2 - 127.0))
    out_ref[0] = jnp.where(lg < -126.0, NEG_BIG, lg)
    out_ref[1] = jnp.where(eh < 0, 1.0, 0.0)


def _k1(d2, lc2, edge_h, mu):
    return pl.pallas_call(
        _k1_body,
        grid=(N_EDGES // EB,),
        in_specs=[
            pl.BlockSpec((EB, 1), lambda i: (i, 0)),
            pl.BlockSpec((EB, 1), lambda i: (i, 0)),
            pl.BlockSpec((EB, FEATS), lambda i: (i, 0)),
            pl.BlockSpec((1, FEATS), lambda i: (0, 0)),
        ],
        out_specs=pl.BlockSpec((2, EB, FEATS), lambda i: (0, i, 0)),
        out_shape=jax.ShapeDtypeStruct((2, N_EDGES, FEATS), jnp.float32),
    )(d2, lc2, edge_h, mu)


def _sc_scatter(F, dst3):
    mesh = plsc.VectorSubcoreMesh(core_axis_name="c", subcore_axis_name="s")

    @functools.partial(
        pl.kernel,
        mesh=mesh,
        out_type=jax.ShapeDtypeStruct((2, N_NODES, FEATS), jnp.float32),
        scratch_types=(
            [pltpu.VMEM((CH, FEATS), jnp.float32) for _ in range(NBUF)]
            + [pltpu.VMEM((CH // SB, SB), jnp.int32) for _ in range(NBUF)]
            + [pltpu.VMEM_SHARED((N_NODES, FEATS), jnp.float32)]
            + [pltpu.SemaphoreType.DMA for _ in range(2 * NBUF)]
        ),
    )
    def k(f_hbm, dst_hbm, out_hbm, *scr):
        datas = scr[:NBUF]
        idxs = scr[NBUF:2 * NBUF]
        acc_sh = scr[2 * NBUF]
        sds = scr[2 * NBUF + 1:3 * NBUF + 1]
        sis = scr[3 * NBUF + 1:4 * NBUF + 1]
        data0 = datas[0]
        c = lax.axis_index("c")
        s = lax.axis_index("s")

        zero16 = jnp.zeros((16,), jnp.float32)

        def _zs(i, carry):
            data0[i // 8, pl.ds((i % 8) * 16, 16)] = zero16
            return carry

        lax.fori_loop(0, 80 * (FEATS // 16), _zs, 0)
        base = s * RPT
        for j in range(7):
            pltpu.sync_copy(data0.at[pl.ds(0, 80)],
                            acc_sh.at[pl.ds(base + j * 80, 80)])
        last = NSUB - 1

        @pl.when(s == last)
        def _():
            pltpu.sync_copy(data0.at[pl.ds(0, 80)],
                            acc_sh.at[pl.ds(base + 7 * 80, 80)])

        @pl.when(s != last)
        def _():
            pltpu.sync_copy(data0.at[pl.ds(0, 64)],
                            acc_sh.at[pl.ds(base + 7 * 80, 64)])

        plsc.subcore_barrier()

        def _start(j, b):
            e0 = s * TPB + j * CH
            pltpu.async_copy(f_hbm.at[c, pl.ds(e0, CH)], datas[b], sds[b])
            pltpu.async_copy(dst_hbm.at[s * NCH + j], idxs[b], sis[b])

        def _wait(b):
            pltpu.make_async_copy(f_hbm.at[0, pl.ds(0, CH)],
                                  datas[b], sds[b]).wait()
            pltpu.make_async_copy(dst_hbm.at[0], idxs[b], sis[b]).wait()

        def _scat(b):
            for q in range(CH // SB):
                pltpu.sync_copy(datas[b].at[pl.ds(q * SB, SB)],
                                acc_sh.at[idxs[b].at[q]], add=True)

        for b in range(NBUF):
            _start(b, b)

        def _grp(i, carry):
            for b in range(NBUF):
                j = NBUF * i + b
                _wait(b)
                _scat(b)

                @pl.when(j + NBUF < NCH)
                def _():
                    _start(j + NBUF, b)
            return carry

        lax.fori_loop(0, NCH // NBUF, _grp, 0)
        for r in range(NCH % NBUF):
            _wait(r)
            _scat(r)
        plsc.subcore_barrier()

        @pl.when(s == last)
        def _():
            pltpu.sync_copy(acc_sh.at[pl.ds(base, 640)],
                            out_hbm.at[c, pl.ds(base, 640)])

        @pl.when(s != last)
        def _():
            pltpu.sync_copy(acc_sh.at[pl.ds(base, RPT)],
                            out_hbm.at[c, pl.ds(base, RPT)])

    return k(F, dst3)


def _k3_body(p0_ref, w_ref, b_ref, o_ref):
    S = p0_ref[0]
    C = p0_ref[1]
    odd = C - 2.0 * jnp.floor(C * 0.5)
    h = jnp.exp2(S) * (1.0 - 2.0 * odd)
    x = jnp.dot(h, w_ref[:], preferred_element_type=jnp.float32) + b_ref[:]
    o_ref[:] = jnp.maximum(x, 0.0) + jnp.log1p(jnp.exp(-jnp.abs(x))) - LOG2


def _k3(p0, W3, b3):
    return pl.pallas_call(
        _k3_body,
        grid=(N_NODES // NB,),
        in_specs=[
            pl.BlockSpec((2, NB, FEATS), lambda i: (0, i, 0)),
            pl.BlockSpec((FEATS, FEATS), lambda i: (0, 0)),
            pl.BlockSpec((1, FEATS), lambda i: (0, 0)),
        ],
        out_specs=pl.BlockSpec((NB, FEATS), lambda i: (i, 0)),
        out_shape=jax.ShapeDtypeStruct((N_NODES, FEATS), jnp.float32),
    )(p0, W3, b3)


def kernel(edge_index, d, edge_h, W1, b1, W2, b2, W3, b3):
    dst = edge_index[1]
    mu = jnp.linspace(0.0, R_MAX, FEATS, dtype=jnp.float32).reshape(1, FEATS)
    lc2 = _k0(d.reshape(N_EDGES // FEATS, FEATS)).reshape(N_EDGES, 1)
    d2 = d.reshape(N_EDGES, 1)
    dst3 = dst.reshape(N_EDGES // CH, CH // SB, SB)
    F = _k1(d2, lc2, edge_h, mu)
    part = _sc_scatter(F, dst3)
    return _k3(part, W3, b3.reshape(1, FEATS))

# --- scband reference (transcript-rebuilt; emitter-appended) ---
"""Pipeline reference for scband-schnet-embedding-17772574671135 (READ-ONLY COPY).

The authoritative reference and input builder live on the scoring server;
editing this copy changes nothing except your own understanding.
"""

import jax, jax.numpy as jnp
import numpy as np

N = 10000
E = 320000
IN_FEATS = 128
RADIAL_FEATS = 128
OUT_FEATS = 128
R_MIN, R_MAX = 0.0, 5.0


def _ssp(x):
    # shifted softplus, the standard SchNet nonlinearity
    return jax.nn.softplus(x) - jnp.log(2.0)


def _mlp(x, W, b):
    return _ssp(x @ W + b)


def _radial_basis(d):
    mu = jnp.linspace(R_MIN, R_MAX, RADIAL_FEATS)
    gap = (R_MAX - R_MIN) / RADIAL_FEATS
    coeff = -0.5 / (gap * gap)
    diff = d[:, None] - mu[None, :]
    return jnp.exp(coeff * diff * diff)


def _smooth_cutoff(d):
    c = 0.5 * (jnp.cos(jnp.pi * d / R_MAX) + 1.0)
    return jnp.where(d < R_MAX, c, 0.0)


def setup_inputs(seed: int = 0):
    key = jax.random.key(seed)
    ks = jax.random.split(key, 8)
    edge_index = jax.random.randint(ks[0], (2, E), 0, N, dtype=jnp.int32)
    d = jax.random.uniform(ks[1], (E,), dtype=jnp.float32) * R_MAX
    edge_h = jax.random.normal(ks[2], (E, IN_FEATS), dtype=jnp.float32)
    s1 = 1.0 / np.sqrt(RADIAL_FEATS)
    s2 = 1.0 / np.sqrt(IN_FEATS)
    W1 = jax.random.normal(ks[3], (RADIAL_FEATS, IN_FEATS), dtype=jnp.float32) * s1
    b1 = jnp.zeros((IN_FEATS,), dtype=jnp.float32)
    W2 = jax.random.normal(ks[4], (IN_FEATS, IN_FEATS), dtype=jnp.float32) * s2
    b2 = jnp.zeros((IN_FEATS,), dtype=jnp.float32)
    W3 = jax.random.normal(ks[5], (IN_FEATS, OUT_FEATS), dtype=jnp.float32) * s2
    b3 = jnp.zeros((OUT_FEATS,), dtype=jnp.float32)
    return {"edge_index": edge_index, "d": d, "edge_h": edge_h,
            "W1": W1, "b1": b1, "W2": W2, "b2": b2, "W3": W3, "b3": b3}


def reference(edge_index, d, edge_h, W1, b1, W2, b2, W3, b3):
    # g.edata['d'] -> d; g.edata['h'] -> edge_h (pre-existing edge features)
    bf = _radial_basis(d)                      # basis_func(e_var)
    cutoff = _smooth_cutoff(d)                 # cutoff(e_var), shape [E]
    bf_e = bf * cutoff[:, None]                # g.edata['bf'] = bf * cutoff
    # FGN MLPs: computed in the original forward but their result is never
    # written back to g.edata, so it does not affect the output (faithful).
    _filt = _mlp(_mlp(bf, W1, b1), W2, b2)
    # cfconv message: edata['h'] * edata['bf'] * cutoff.unsqueeze(-1)
    messages = edge_h * bf_e * cutoff[:, None]
    dst = edge_index[1]
    # reduce_func: product over each node's mailbox -> segment product by dst
    h = jax.ops.segment_prod(messages, dst, num_segments=N)
    out = _mlp(h, W3, b3)                      # IB_MLP
    return out

if __name__ == "__main__":
    import jax
    _d = setup_inputs()
    print(jax.jit(kernel)(*tuple(_d.values())))

</pallas_src>

<mosaic_0001>
#map = affine_map<(d0, d1) -> (0, 0, 0)>
module attributes {stable_mosaic.version = 14 : i64} {
  func.func @k(%arg0: i32, %arg1: i32, %arg2: memref<2x320000x128xf32, #tpu.memory_space<hbm>>, %arg3: memref<4000x1x80xi32, #tpu.memory_space<hbm>>, %arg4: memref<2x10000x128xf32, #tpu.memory_space<hbm>>, %arg5: memref<80x128xf32, #tpu.memory_space<vmem>>, %arg6: memref<80x128xf32, #tpu.memory_space<vmem>>, %arg7: memref<80x128xf32, #tpu.memory_space<vmem>>, %arg8: memref<80x128xf32, #tpu.memory_space<vmem>>, %arg9: memref<1x80xi32, #tpu.memory_space<vmem>>, %arg10: memref<1x80xi32, #tpu.memory_space<vmem>>, %arg11: memref<1x80xi32, #tpu.memory_space<vmem>>, %arg12: memref<1x80xi32, #tpu.memory_space<vmem>>, %arg13: memref<10000x128xf32, #tpu.memory_space<vmem_shared>>, %arg14: memref<!tpu.dma_semaphore, #tpu.memory_space<semaphore_mem>>, %arg15: memref<!tpu.dma_semaphore, #tpu.memory_space<semaphore_mem>>, %arg16: memref<!tpu.dma_semaphore, #tpu.memory_space<semaphore_mem>>, %arg17: memref<!tpu.dma_semaphore, #tpu.memory_space<semaphore_mem>>, %arg18: memref<!tpu.dma_semaphore, #tpu.memory_space<semaphore_mem>>, %arg19: memref<!tpu.dma_semaphore, #tpu.memory_space<semaphore_mem>>, %arg20: memref<!tpu.dma_semaphore, #tpu.memory_space<semaphore_mem>>, %arg21: memref<!tpu.dma_semaphore, #tpu.memory_space<semaphore_mem>>) attributes {dimension_semantics = [#tpu.dimension_semantics<core_parallel>, #tpu.dimension_semantics<subcore_parallel>], iteration_bounds = array<i64: 2, 16>, scalar_prefetch = 0 : i64, scratch_operands = 17 : i64, tpu.core_type = #tpu.core_type<sc_vector_subcore>, window_params = [{transform_indices = #map}, {transform_indices = #map}, {transform_indices = #map}]} {
    %broadcast_in_dim3A = arith.constant 0.000000e+00 : f32
    %broadcast_in_dim3A_0 = vector.broadcast %broadcast_in_dim3A : f32 to vector<16xf32>
    %scan3A = arith.constant 0 : i32
    %scan3A_1 = arith.constant 0 : i32
    %scan3A_2 = arith.constant 640 : i32
    %scan3A_3 = arith.addi %scan3A_1, %scan3A_2 : i32
    %scan3A_4 = arith.constant 1 : i32
    scf.for %scan3A_166 = %scan3A_1 to %scan3A_3 step %scan3A_4  : i32 {
      %jit3A = arith.constant 8 : i32
      %div3A = arith.divsi %scan3A_166, %jit3A : i32
      %sign3A = arith.constant 0 : i32
      %sign3A_167 = arith.cmpi sgt, %scan3A_166, %sign3A : i32
      %sign3A_168 = arith.extui %sign3A_167 : i1 to i32
      %sign3A_169 = arith.constant 0 : i32
      %sign3A_170 = arith.cmpi slt, %scan3A_166, %sign3A_169 : i32
      %sign3A_171 = arith.extui %sign3A_170 : i1 to i32
      %sign3A_172 = arith.subi %sign3A_168, %sign3A_171 : i32
      %sign3A_173 = arith.constant 0 : i32
      %sign3A_174 = arith.cmpi sgt, %jit3A, %sign3A_173 : i32
      %sign3A_175 = arith.extui %sign3A_174 : i1 to i32
      %sign3A_176 = arith.constant 0 : i32
      %sign3A_177 = arith.cmpi slt, %jit3A, %sign3A_176 : i32
      %sign3A_178 = arith.extui %sign3A_177 : i1 to i32
      %sign3A_179 = arith.subi %sign3A_175, %sign3A_178 : i32
      %ne3A_180 = arith.cmpi ne, %sign3A_172, %sign3A_179 : i32
      %rem3A = arith.remsi %scan3A_166, %jit3A : i32
      %ne3A_181 = arith.constant 0 : i32
      %ne3A_182 = arith.cmpi ne, %rem3A, %ne3A_181 : i32
      %and3A = arith.andi %ne3A_180, %ne3A_182 : i1
      %sub3A = arith.constant 1 : i32
      %sub3A_183 = arith.subi %div3A, %sub3A : i32
      %select_n3A = arith.select %and3A, %sub3A_183, %div3A : i32
      %jit3A_184 = arith.constant 8 : i32
      %eq3A_185 = arith.constant 0 : i32
      %eq3A_186 = arith.cmpi eq, %jit3A_184, %eq3A_185 : i32
      %jit3A_187 = arith.constant 1 : i32
      %select_n3A_188 = arith.select %eq3A_186, %jit3A_187, %jit3A_184 : i32
      %rem3A_189 = arith.remsi %scan3A_166, %select_n3A_188 : i32
      %ne3A_190 = arith.constant 0 : i32
      %ne3A_191 = arith.cmpi ne, %rem3A_189, %ne3A_190 : i32
      %lt3A = arith.constant 0 : i32
      %lt3A_192 = arith.cmpi slt, %rem3A_189, %lt3A : i32
      %lt3A_193 = arith.constant 0 : i32
      %lt3A_194 = arith.cmpi slt, %select_n3A_188, %lt3A_193 : i32
      %ne3A_195 = arith.xori %lt3A_192, %lt3A_194 : i1
      %and3A_196 = arith.andi %ne3A_195, %ne3A_191 : i1
      %add3A_197 = arith.addi %rem3A_189, %select_n3A_188 : i32
      %select_n3A_198 = arith.select %and3A_196, %add3A_197, %rem3A_189 : i32
      %mul3A_199 = arith.constant 16 : i32
      %mul3A_200 = arith.muli %select_n3A_198, %mul3A_199 : i32
      %swap3A = arith.index_cast %select_n3A : i32 to index
      %swap3A_201 = arith.index_cast %mul3A_200 : i32 to index
      %swap3A_202 = tpu.vector_load %arg5[%swap3A, %swap3A_201] {strides = array<i32>} : memref<80x128xf32, #tpu.memory_space<vmem>>, vector<1x16xf32>,
      %swap3A_203 = vector.shape_cast %swap3A_202 : vector<1x16xf32> to vector<16xf32>
      %swap3A_204 = vector.shape_cast %broadcast_in_dim3A_0 : vector<16xf32> to vector<1x16xf32>
      tpu.vector_store %arg5[%swap3A, %swap3A_201], %swap3A_204 {strides = array<i32>} : memref<80x128xf32, #tpu.memory_space<vmem>>, vector<1x16xf32>,
    }
    %scan3A_5 = arith.constant 640 : i32
    %mul3A = arith.constant 624 : i32
    %mul3A_6 = arith.muli %arg1, %mul3A : i32
    %add3A = arith.constant 0 : i32
    %add3A_7 = arith.addi %mul3A_6, %add3A : i32
    "tpu.region"() ({
      %run_scoped3A_166 = tpu.sem_alloc : memref<!tpu.dma_semaphore, #tpu.memory_space<semaphore_mem>>
      %dma_start3A_167 = arith.constant 0 : i32
      %dma_start3A_168 = arith.constant 0 : i32
      %dma_start3A_169 = tpu.memref_slice %arg5[%dma_start3A_167, %dma_start3A_168] : memref<80x128xf32, #tpu.memory_space<vmem>> -> memref<80x128xf32, #tpu.memory_space<vmem>>
      %dma_start3A_170 = arith.constant 0 : i32
      %dma_start3A_171 = tpu.memref_slice %arg13[%add3A_7, %dma_start3A_170] : memref<10000x128xf32, #tpu.memory_space<vmem_shared>> -> memref<80x128xf32, #tpu.memory_space<vmem_shared>>
      %dma_start3A_172 = arith.constant 0 : i32
      %dma_start3A_173 = tpu.memref_slice %arg13[%add3A_7, %dma_start3A_172] : memref<10000x128xf32, #tpu.memory_space<vmem_shared>> -> memref<80x128xf32, #tpu.memory_space<vmem_shared>>
      %dma_start3A_174 = arith.constant 0 : i32
      %dma_start3A_175 = arith.constant 0 : i32
      %dma_start3A_176 = tpu.memref_slice %arg5[%dma_start3A_174, %dma_start3A_175] : memref<80x128xf32, #tpu.memory_space<vmem>> -> memref<80x128xf32, #tpu.memory_space<vmem>>
      tpu.enqueue_dma source(%dma_start3A_176 : memref<80x128xf32, #tpu.memory_space<vmem>>) target(%dma_start3A_173 : memref<80x128xf32, #tpu.memory_space<vmem_shared>>) target_semaphore(%run_scoped3A_166 : memref<!tpu.dma_semaphore, #tpu.memory_space<semaphore_mem>>)
      %dma_wait3A_177 = arith.constant 0 : i32
      %dma_wait3A_178 = arith.constant 0 : i32
      %dma_wait3A_179 = tpu.memref_slice %arg5[%dma_wait3A_177, %dma_wait3A_178] : memref<80x128xf32, #tpu.memory_space<vmem>> -> memref<80x128xf32, #tpu.memory_space<vmem>>
      %dma_wait3A_180 = arith.constant 0 : i32
      %dma_wait3A_181 = tpu.memref_slice %arg13[%add3A_7, %dma_wait3A_180] : memref<10000x128xf32, #tpu.memory_space<vmem_shared>> -> memref<80x128xf32, #tpu.memory_space<vmem_shared>>
      %dma_wait3A_182 = arith.constant 0 : i32
      %dma_wait3A_183 = tpu.memref_slice %arg13[%add3A_7, %dma_wait3A_182] : memref<10000x128xf32, #tpu.memory_space<vmem_shared>> -> memref<80x128xf32, #tpu.memory_space<vmem_shared>>
      %dma_wait3A_184 = arith.constant 0 : i32
      %dma_wait3A_185 = arith.constant 0 : i32
      %dma_wait3A_186 = tpu.memref_slice %arg5[%dma_wait3A_184, %dma_wait3A_185] : memref<80x128xf32, #tpu.memory_space<vmem>> -> memref<80x128xf32, #tpu.memory_space<vmem>>
      tpu.wait_dma2 semaphore(%run_scoped3A_166 : memref<!tpu.dma_semaphore, #tpu.memory_space<semaphore_mem>>) src(%dma_wait3A_186 : memref<80x128xf32, #tpu.memory_space<vmem>>) dst(%dma_wait3A_183 : memref<80x128xf32, #tpu.memory_space<vmem_shared>>)
      tpu.yield
    }) : () -> ()
    %add3A_8 = arith.constant 80 : i32
    %add3A_9 = arith.addi %mul3A_6, %add3A_8 : i32
    "tpu.region"() ({
      %run_scoped3A_166 = tpu.sem_alloc : memref<!tpu.dma_semaphore, #tpu.memory_space<semaphore_mem>>
      %dma_start3A_167 = arith.constant 0 : i32
      %dma_start3A_168 = arith.constant 0 : i32
      %dma_start3A_169 = tpu.memref_slice %arg5[%dma_start3A_167, %dma_start3A_168] : memref<80x128xf32, #tpu.memory_space<vmem>> -> memref<80x128xf32, #tpu.memory_space<vmem>>
      %dma_start3A_170 = arith.constant 0 : i32
      %dma_start3A_171 = tpu.memref_slice %arg13[%add3A_9, %dma_start3A_170] : memref<10000x128xf32, #tpu.memory_space<vmem_shared>> -> memref<80x128xf32, #tpu.memory_space<vmem_shared>>
      %dma_start3A_172 = arith.constant 0 : i32
      %dma_start3A_173 = tpu.memref_slice %arg13[%add3A_9, %dma_start3A_172] : memref<10000x128xf32, #tpu.memory_space<vmem_shared>> -> memref<80x128xf32, #tpu.memory_space<vmem_shared>>
      %dma_start3A_174 = arith.constant 0 : i32
      %dma_start3A_175 = arith.constant 0 : i32
      %dma_start3A_176 = tpu.memref_slice %arg5[%dma_start3A_174, %dma_start3A_175] : memref<80x128xf32, #tpu.memory_space<vmem>> -> memref<80x128xf32, #tpu.memory_space<vmem>>
      tpu.enqueue_dma source(%dma_start3A_176 : memref<80x128xf32, #tpu.memory_space<vmem>>) target(%dma_start3A_173 : memref<80x128xf32, #tpu.memory_space<vmem_shared>>) target_semaphore(%run_scoped3A_166 : memref<!tpu.dma_semaphore, #tpu.memory_space<semaphore_mem>>)
      %dma_wait3A_177 = arith.constant 0 : i32
      %dma_wait3A_178 = arith.constant 0 : i32
      %dma_wait3A_179 = tpu.memref_slice %arg5[%dma_wait3A_177, %dma_wait3A_178] : memref<80x128xf32, #tpu.memory_space<vmem>> -> memref<80x128xf32, #tpu.memory_space<vmem>>
      %dma_wait3A_180 = arith.constant 0 : i32
      %dma_wait3A_181 = tpu.memref_slice %arg13[%add3A_9, %dma_wait3A_180] : memref<10000x128xf32, #tpu.memory_space<vmem_shared>> -> memref<80x128xf32, #tpu.memory_space<vmem_shared>>
      %dma_wait3A_182 = arith.constant 0 : i32
      %dma_wait3A_183 = tpu.memref_slice %arg13[%add3A_9, %dma_wait3A_182] : memref<10000x128xf32, #tpu.memory_space<vmem_shared>> -> memref<80x128xf32, #tpu.memory_space<vmem_shared>>
      %dma_wait3A_184 = arith.constant 0 : i32
      %dma_wait3A_185 = arith.constant 0 : i32
      %dma_wait3A_186 = tpu.memref_slice %arg5[%dma_wait3A_184, %dma_wait3A_185] : memref<80x128xf32, #tpu.memory_space<vmem>> -> memref<80x128xf32, #tpu.memory_space<vmem>>
      tpu.wait_dma2 semaphore(%run_scoped3A_166 : memref<!tpu.dma_semaphore, #tpu.memory_space<semaphore_mem>>) src(%dma_wait3A_186 : memref<80x128xf32, #tpu.memory_space<vmem>>) dst(%dma_wait3A_183 : memref<80x128xf32, #tpu.memory_space<vmem_shared>>)
      tpu.yield
    }) : () -> ()
    %add3A_10 = arith.constant 160 : i32
    %add3A_11 = arith.addi %mul3A_6, %add3A_10 : i32
    "tpu.region"() ({
      %run_scoped3A_166 = tpu.sem_alloc : memref<!tpu.dma_semaphore, #tpu.memory_space<semaphore_mem>>
      %dma_start3A_167 = arith.constant 0 : i32
      %dma_start3A_168 = arith.constant 0 : i32
      %dma_start3A_169 = tpu.memref_slice %arg5[%dma_start3A_167, %dma_start3A_168] : memref<80x128xf32, #tpu.memory_space<vmem>> -> memref<80x128xf32, #tpu.memory_space<vmem>>
      %dma_start3A_170 = arith.constant 0 : i32
      %dma_start3A_171 = tpu.memref_slice %arg13[%add3A_11, %dma_start3A_170] : memref<10000x128xf32, #tpu.memory_space<vmem_shared>> -> memref<80x128xf32, #tpu.memory_space<vmem_shared>>
      %dma_start3A_172 = arith.constant 0 : i32
      %dma_start3A_173 = tpu.memref_slice %arg13[%add3A_11, %dma_start3A_172] : memref<10000x128xf32, #tpu.memory_space<vmem_shared>> -> memref<80x128xf32, #tpu.memory_space<vmem_shared>>
      %dma_start3A_174 = arith.constant 0 : i32
      %dma_start3A_175 = arith.constant 0 : i32
      %dma_start3A_176 = tpu.memref_slice %arg5[%dma_start3A_174, %dma_start3A_175] : memref<80x128xf32, #tpu.memory_space<vmem>> -> memref<80x128xf32, #tpu.memory_space<vmem>>
      tpu.enqueue_dma source(%dma_start3A_176 : memref<80x128xf32, #tpu.memory_space<vmem>>) target(%dma_start3A_173 : memref<80x128xf32, #tpu.memory_space<vmem_shared>>) target_semaphore(%run_scoped3A_166 : memref<!tpu.dma_semaphore, #tpu.memory_space<semaphore_mem>>)
      %dma_wait3A_177 = arith.constant 0 : i32
      %dma_wait3A_178 = arith.constant 0 : i32
      %dma_wait3A_179 = tpu.memref_slice %arg5[%dma_wait3A_177, %dma_wait3A_178] : memref<80x128xf32, #tpu.memory_space<vmem>> -> memref<80x128xf32, #tpu.memory_space<vmem>>
      %dma_wait3A_180 = arith.constant 0 : i32
      %dma_wait3A_181 = tpu.memref_slice %arg13[%add3A_11, %dma_wait3A_180] : memref<10000x128xf32, #tpu.memory_space<vmem_shared>> -> memref<80x128xf32, #tpu.memory_space<vmem_shared>>
      %dma_wait3A_182 = arith.constant 0 : i32
      %dma_wait3A_183 = tpu.memref_slice %arg13[%add3A_11, %dma_wait3A_182] : memref<10000x128xf32, #tpu.memory_space<vmem_shared>> -> memref<80x128xf32, #tpu.memory_space<vmem_shared>>
      %dma_wait3A_184 = arith.constant 0 : i32
      %dma_wait3A_185 = arith.constant 0 : i32
      %dma_wait3A_186 = tpu.memref_slice %arg5[%dma_wait3A_184, %dma_wait3A_185] : memref<80x128xf32, #tpu.memory_space<vmem>> -> memref<80x128xf32, #tpu.memory_space<vmem>>
      tpu.wait_dma2 semaphore(%run_scoped3A_166 : memref<!tpu.dma_semaphore, #tpu.memory_space<semaphore_mem>>) src(%dma_wait3A_186 : memref<80x128xf32, #tpu.memory_space<vmem>>) dst(%dma_wait3A_183 : memref<80x128xf32, #tpu.memory_space<vmem_shared>>)
      tpu.yield
    }) : () -> ()
    %add3A_12 = arith.constant 240 : i32
    %add3A_13 = arith.addi %mul3A_6, %add3A_12 : i32
    "tpu.region"() ({
      %run_scoped3A_166 = tpu.sem_alloc : memref<!tpu.dma_semaphore, #tpu.memory_space<semaphore_mem>>
      %dma_start3A_167 = arith.constant 0 : i32
      %dma_start3A_168 = arith.constant 0 : i32
      %dma_start3A_169 = tpu.memref_slice %arg5[%dma_start3A_167, %dma_start3A_168] : memref<80x128xf32, #tpu.memory_space<vmem>> -> memref<80x128xf32, #tpu.memory_space<vmem>>
      %dma_start3A_170 = arith.constant 0 : i32
      %dma_start3A_171 = tpu.memref_slice %arg13[%add3A_13, %dma_start3A_170] : memref<10000x128xf32, #tpu.memory_space<vmem_shared>> -> memref<80x128xf32, #tpu.memory_space<vmem_shared>>
      %dma_start3A_172 = arith.constant 0 : i32
      %dma_start3A_173 = tpu.memref_slice %arg13[%add3A_13, %dma_start3A_172] : memref<10000x128xf32, #tpu.memory_space<vmem_shared>> -> memref<80x128xf32, #tpu.memory_space<vmem_shared>>
      %dma_start3A_174 = arith.constant 0 : i32
      %dma_start3A_175 = arith.constant 0 : i32
      %dma_start3A_176 = tpu.memref_slice %arg5[%dma_start3A_174, %dma_start3A_175] : memref<80x128xf32, #tpu.memory_space<vmem>> -> memref<80x128xf32, #tpu.memory_space<vmem>>
      tpu.enqueue_dma source(%dma_start3A_176 : memref<80x128xf32, #tpu.memory_space<vmem>>) target(%dma_start3A_173 : memref<80x128xf32, #tpu.memory_space<vmem_shared>>) target_semaphore(%run_scoped3A_166 : memref<!tpu.dma_semaphore, #tpu.memory_space<semaphore_mem>>)
      %dma_wait3A_177 = arith.constant 0 : i32
      %dma_wait3A_178 = arith.constant 0 : i32
      %dma_wait3A_179 = tpu.memref_slice %arg5[%dma_wait3A_177, %dma_wait3A_178] : memref<80x128xf32, #tpu.memory_space<vmem>> -> memref<80x128xf32, #tpu.memory_space<vmem>>
      %dma_wait3A_180 = arith.constant 0 : i32
      %dma_wait3A_181 = tpu.memref_slice %arg13[%add3A_13, %dma_wait3A_180] : memref<10000x128xf32, #tpu.memory_space<vmem_shared>> -> memref<80x128xf32, #tpu.memory_space<vmem_shared>>
      %dma_wait3A_182 = arith.constant 0 : i32
      %dma_wait3A_183 = tpu.memref_slice %arg13[%add3A_13, %dma_wait3A_182] : memref<10000x128xf32, #tpu.memory_space<vmem_shared>> -> memref<80x128xf32, #tpu.memory_space<vmem_shared>>
      %dma_wait3A_184 = arith.constant 0 : i32
      %dma_wait3A_185 = arith.constant 0 : i32
      %dma_wait3A_186 = tpu.memref_slice %arg5[%dma_wait3A_184, %dma_wait3A_185] : memref<80x128xf32, #tpu.memory_space<vmem>> -> memref<80x128xf32, #tpu.memory_space<vmem>>
      tpu.wait_dma2 semaphore(%run_scoped3A_166 : memref<!tpu.dma_semaphore, #tpu.memory_space<semaphore_mem>>) src(%dma_wait3A_186 : memref<80x128xf32, #tpu.memory_space<vmem>>) dst(%dma_wait3A_183 : memref<80x128xf32, #tpu.memory_space<vmem_shared>>)
      tpu.yield
    }) : () -> ()
    %add3A_14 = arith.constant 320 : i32
    %add3A_15 = arith.addi %mul3A_6, %add3A_14 : i32
    "tpu.region"() ({
      %run_scoped3A_166 = tpu.sem_alloc : memref<!tpu.dma_semaphore, #tpu.memory_space<semaphore_mem>>
      %dma_start3A_167 = arith.constant 0 : i32
      %dma_start3A_168 = arith.constant 0 : i32
      %dma_start3A_169 = tpu.memref_slice %arg5[%dma_start3A_167, %dma_start3A_168] : memref<80x128xf32, #tpu.memory_space<vmem>> -> memref<80x128xf32, #tpu.memory_space<vmem>>
      %dma_start3A_170 = arith.constant 0 : i32
      %dma_start3A_171 = tpu.memref_slice %arg13[%add3A_15, %dma_start3A_170] : memref<10000x128xf32, #tpu.memory_space<vmem_shared>> -> memref<80x128xf32, #tpu.memory_space<vmem_shared>>
      %dma_start3A_172 = arith.constant 0 : i32
      %dma_start3A_173 = tpu.memref_slice %arg13[%add3A_15, %dma_start3A_172] : memref<10000x128xf32, #tpu.memory_space<vmem_shared>> -> memref<80x128xf32, #tpu.memory_space<vmem_shared>>
      %dma_start3A_174 = arith.constant 0 : i32
      %dma_start3A_175 = arith.constant 0 : i32
      %dma_start3A_176 = tpu.memref_slice %arg5[%dma_start3A_174, %dma_start3A_175] : memref<80x128xf32, #tpu.memory_space<vmem>> -> memref<80x128xf32, #tpu.memory_space<vmem>>
      tpu.enqueue_dma source(%dma_start3A_176 : memref<80x128xf32, #tpu.memory_space<vmem>>) target(%dma_start3A_173 : memref<80x128xf32, #tpu.memory_space<vmem_shared>>) target_semaphore(%run_scoped3A_166 : memref<!tpu.dma_semaphore, #tpu.memory_space<semaphore_mem>>)
      %dma_wait3A_177 = arith.constant 0 : i32
      %dma_wait3A_178 = arith.constant 0 : i32
      %dma_wait3A_179 = tpu.memref_slice %arg5[%dma_wait3A_177, %dma_wait3A_178] : memref<80x128xf32, #tpu.memory_space<vmem>> -> memref<80x128xf32, #tpu.memory_space<vmem>>
      %dma_wait3A_180 = arith.constant 0 : i32
      %dma_wait3A_181 = tpu.memref_slice %arg13[%add3A_15, %dma_wait3A_180] : memref<10000x128xf32, #tpu.memory_space<vmem_shared>> -> memref<80x128xf32, #tpu.memory_space<vmem_shared>>
      %dma_wait3A_182 = arith.constant 0 : i32
      %dma_wait3A_183 = tpu.memref_slice %arg13[%add3A_15, %dma_wait3A_182] : memref<10000x128xf32, #tpu.memory_space<vmem_shared>> -> memref<80x128xf32, #tpu.memory_space<vmem_shared>>
      %dma_wait3A_184 = arith.constant 0 : i32
      %dma_wait3A_185 = arith.constant 0 : i32
      %dma_wait3A_186 = tpu.memref_slice %arg5[%dma_wait3A_184, %dma_wait3A_185] : memref<80x128xf32, #tpu.memory_space<vmem>> -> memref<80x128xf32, #tpu.memory_space<vmem>>
      tpu.wait_dma2 semaphore(%run_scoped3A_166 : memref<!tpu.dma_semaphore, #tpu.memory_space<semaphore_mem>>) src(%dma_wait3A_186 : memref<80x128xf32, #tpu.memory_space<vmem>>) dst(%dma_wait3A_183 : memref<80x128xf32, #tpu.memory_space<vmem_shared>>)
      tpu.yield
    }) : () -> ()
    %add3A_16 = arith.constant 400 : i32
    %add3A_17 = arith.addi %mul3A_6, %add3A_16 : i32
    "tpu.region"() ({
      %run_scoped3A_166 = tpu.sem_alloc : memref<!tpu.dma_semaphore, #tpu.memory_space<semaphore_mem>>
      %dma_start3A_167 = arith.constant 0 : i32
      %dma_start3A_168 = arith.constant 0 : i32
      %dma_start3A_169 = tpu.memref_slice %arg5[%dma_start3A_167, %dma_start3A_168] : memref<80x128xf32, #tpu.memory_space<vmem>> -> memref<80x128xf32, #tpu.memory_space<vmem>>
      %dma_start3A_170 = arith.constant 0 : i32
      %dma_start3A_171 = tpu.memref_slice %arg13[%add3A_17, %dma_start3A_170] : memref<10000x128xf32, #tpu.memory_space<vmem_shared>> -> memref<80x128xf32, #tpu.memory_space<vmem_shared>>
      %dma_start3A_172 = arith.constant 0 : i32
      %dma_start3A_173 = tpu.memref_slice %arg13[%add3A_17, %dma_start3A_172] : memref<10000x128xf32, #tpu.memory_space<vmem_shared>> -> memref<80x128xf32, #tpu.memory_space<vmem_shared>>
      %dma_start3A_174 = arith.constant 0 : i32
      %dma_start3A_175 = arith.constant 0 : i32
      %dma_start3A_176 = tpu.memref_slice %arg5[%dma_start3A_174, %dma_start3A_175] : memref<80x128xf32, #tpu.memory_space<vmem>> -> memref<80x128xf32, #tpu.memory_space<vmem>>
      tpu.enqueue_dma source(%dma_start3A_176 : memref<80x128xf32, #tpu.memory_space<vmem>>) target(%dma_start3A_173 : memref<80x128xf32, #tpu.memory_space<vmem_shared>>) target_semaphore(%run_scoped3A_166 : memref<!tpu.dma_semaphore, #tpu.memory_space<semaphore_mem>>)
      %dma_wait3A_177 = arith.constant 0 : i32
      %dma_wait3A_178 = arith.constant 0 : i32
      %dma_wait3A_179 = tpu.memref_slice %arg5[%dma_wait3A_177, %dma_wait3A_178] : memref<80x128xf32, #tpu.memory_space<vmem>> -> memref<80x128xf32, #tpu.memory_space<vmem>>
      %dma_wait3A_180 = arith.constant 0 : i32
      %dma_wait3A_181 = tpu.memref_slice %arg13[%add3A_17, %dma_wait3A_180] : memref<10000x128xf32, #tpu.memory_space<vmem_shared>> -> memref<80x128xf32, #tpu.memory_space<vmem_shared>>
      %dma_wait3A_182 = arith.constant 0 : i32
      %dma_wait3A_183 = tpu.memref_slice %arg13[%add3A_17, %dma_wait3A_182] : memref<10000x128xf32, #tpu.memory_space<vmem_shared>> -> memref<80x128xf32, #tpu.memory_space<vmem_shared>>
      %dma_wait3A_184 = arith.constant 0 : i32
      %dma_wait3A_185 = arith.constant 0 : i32
      %dma_wait3A_186 = tpu.memref_slice %arg5[%dma_wait3A_184, %dma_wait3A_185] : memref<80x128xf32, #tpu.memory_space<vmem>> -> memref<80x128xf32, #tpu.memory_space<vmem>>
      tpu.wait_dma2 semaphore(%run_scoped3A_166 : memref<!tpu.dma_semaphore, #tpu.memory_space<semaphore_mem>>) src(%dma_wait3A_186 : memref<80x128xf32, #tpu.memory_space<vmem>>) dst(%dma_wait3A_183 : memref<80x128xf32, #tpu.memory_space<vmem_shared>>)
      tpu.yield
    }) : () -> ()
    %add3A_18 = arith.constant 480 : i32
    %add3A_19 = arith.addi %mul3A_6, %add3A_18 : i32
    "tpu.region"() ({
      %run_scoped3A_166 = tpu.sem_alloc : memref<!tpu.dma_semaphore, #tpu.memory_space<semaphore_mem>>
      %dma_start3A_167 = arith.constant 0 : i32
      %dma_start3A_168 = arith.constant 0 : i32
      %dma_start3A_169 = tpu.memref_slice %arg5[%dma_start3A_167, %dma_start3A_168] : memref<80x128xf32, #tpu.memory_space<vmem>> -> memref<80x128xf32, #tpu.memory_space<vmem>>
      %dma_start3A_170 = arith.constant 0 : i32
      %dma_start3A_171 = tpu.memref_slice %arg13[%add3A_19, %dma_start3A_170] : memref<10000x128xf32, #tpu.memory_space<vmem_shared>> -> memref<80x128xf32, #tpu.memory_space<vmem_shared>>
      %dma_start3A_172 = arith.constant 0 : i32
      %dma_start3A_173 = tpu.memref_slice %arg13[%add3A_19, %dma_start3A_172] : memref<10000x128xf32, #tpu.memory_space<vmem_shared>> -> memref<80x128xf32, #tpu.memory_space<vmem_shared>>
      %dma_start3A_174 = arith.constant 0 : i32
      %dma_start3A_175 = arith.constant 0 : i32
      %dma_start3A_176 = tpu.memref_slice %arg5[%dma_start3A_174, %dma_start3A_175] : memref<80x128xf32, #tpu.memory_space<vmem>> -> memref<80x128xf32, #tpu.memory_space<vmem>>
      tpu.enqueue_dma source(%dma_start3A_176 : memref<80x128xf32, #tpu.memory_space<vmem>>) target(%dma_start3A_173 : memref<80x128xf32, #tpu.memory_space<vmem_shared>>) target_semaphore(%run_scoped3A_166 : memref<!tpu.dma_semaphore, #tpu.memory_space<semaphore_mem>>)
      %dma_wait3A_177 = arith.constant 0 : i32
      %dma_wait3A_178 = arith.constant 0 : i32
      %dma_wait3A_179 = tpu.memref_slice %arg5[%dma_wait3A_177, %dma_wait3A_178] : memref<80x128xf32, #tpu.memory_space<vmem>> -> memref<80x128xf32, #tpu.memory_space<vmem>>
      %dma_wait3A_180 = arith.constant 0 : i32
      %dma_wait3A_181 = tpu.memref_slice %arg13[%add3A_19, %dma_wait3A_180] : memref<10000x128xf32, #tpu.memory_space<vmem_shared>> -> memref<80x128xf32, #tpu.memory_space<vmem_shared>>
      %dma_wait3A_182 = arith.constant 0 : i32
      %dma_wait3A_183 = tpu.memref_slice %arg13[%add3A_19, %dma_wait3A_182] : memref<10000x128xf32, #tpu.memory_space<vmem_shared>> -> memref<80x128xf32, #tpu.memory_space<vmem_shared>>
      %dma_wait3A_184 = arith.constant 0 : i32
      %dma_wait3A_185 = arith.constant 0 : i32
      %dma_wait3A_186 = tpu.memref_slice %arg5[%dma_wait3A_184, %dma_wait3A_185] : memref<80x128xf32, #tpu.memory_space<vmem>> -> memref<80x128xf32, #tpu.memory_space<vmem>>
      tpu.wait_dma2 semaphore(%run_scoped3A_166 : memref<!tpu.dma_semaphore, #tpu.memory_space<semaphore_mem>>) src(%dma_wait3A_186 : memref<80x128xf32, #tpu.memory_space<vmem>>) dst(%dma_wait3A_183 : memref<80x128xf32, #tpu.memory_space<vmem_shared>>)
      tpu.yield
    }) : () -> ()
    %eq3A = arith.constant 15 : i32
    %eq3A_20 = arith.cmpi eq, %arg1, %eq3A : i32
    %convert_element_type3A = arith.extui %eq3A_20 : i1 to i32
    %cond3A = arith.constant 0 : i32
    %cond3A_21 = arith.cmpi ne, %convert_element_type3A, %cond3A : i32
    scf.if %cond3A_21 {
      %add3A_166 = arith.constant 560 : i32
      %add3A_167 = arith.addi %mul3A_6, %add3A_166 : i32
      "tpu.region"() ({
        %run_scoped3A_168 = tpu.sem_alloc : memref<!tpu.dma_semaphore, #tpu.memory_space<semaphore_mem>>
        %dma_start3A_169 = arith.constant 0 : i32
        %dma_start3A_170 = arith.constant 0 : i32
        %dma_start3A_171 = tpu.memref_slice %arg5[%dma_start3A_169, %dma_start3A_170] : memref<80x128xf32, #tpu.memory_space<vmem>> -> memref<80x128xf32, #tpu.memory_space<vmem>>
        %dma_start3A_172 = arith.constant 0 : i32
        %dma_start3A_173 = tpu.memref_slice %arg13[%add3A_167, %dma_start3A_172] : memref<10000x128xf32, #tpu.memory_space<vmem_shared>> -> memref<80x128xf32, #tpu.memory_space<vmem_shared>>
        %dma_start3A_174 = arith.constant 0 : i32
        %dma_start3A_175 = tpu.memref_slice %arg13[%add3A_167, %dma_start3A_174] : memref<10000x128xf32, #tpu.memory_space<vmem_shared>> -> memref<80x128xf32, #tpu.memory_space<vmem_shared>>
        %dma_start3A_176 = arith.constant 0 : i32
        %dma_start3A_177 = arith.constant 0 : i32
        %dma_start3A_178 = tpu.memref_slice %arg5[%dma_start3A_176, %dma_start3A_177] : memref<80x128xf32, #tpu.memory_space<vmem>> -> memref<80x128xf32, #tpu.memory_space<vmem>>
        tpu.enqueue_dma source(%dma_start3A_178 : memref<80x128xf32, #tpu.memory_space<vmem>>) target(%dma_start3A_175 : memref<80x128xf32, #tpu.memory_space<vmem_shared>>) target_semaphore(%run_scoped3A_168 : memref<!tpu.dma_semaphore, #tpu.memory_space<semaphore_mem>>)
        %dma_wait3A_179 = arith.constant 0 : i32
        %dma_wait3A_180 = arith.constant 0 : i32
        %dma_wait3A_181 = tpu.memref_slice %arg5[%dma_wait3A_179, %dma_wait3A_180] : memref<80x128xf32, #tpu.memory_space<vmem>> -> memref<80x128xf32, #tpu.memory_space<vmem>>
        %dma_wait3A_182 = arith.constant 0 : i32
        %dma_wait3A_183 = tpu.memref_slice %arg13[%add3A_167, %dma_wait3A_182] : memref<10000x128xf32, #tpu.memory_space<vmem_shared>> -> memref<80x128xf32, #tpu.memory_space<vmem_shared>>
        %dma_wait3A_184 = arith.constant 0 : i32
        %dma_wait3A_185 = tpu.memref_slice %arg13[%add3A_167, %dma_wait3A_184] : memref<10000x128xf32, #tpu.memory_space<vmem_shared>> -> memref<80x128xf32, #tpu.memory_space<vmem_shared>>
        %dma_wait3A_186 = arith.constant 0 : i32
        %dma_wait3A_187 = arith.constant 0 : i32
        %dma_wait3A_188 = tpu.memref_slice %arg5[%dma_wait3A_186, %dma_wait3A_187] : memref<80x128xf32, #tpu.memory_space<vmem>> -> memref<80x128xf32, #tpu.memory_space<vmem>>
        tpu.wait_dma2 semaphore(%run_scoped3A_168 : memref<!tpu.dma_semaphore, #tpu.memory_space<semaphore_mem>>) src(%dma_wait3A_188 : memref<80x128xf32, #tpu.memory_space<vmem>>) dst(%dma_wait3A_185 : memref<80x128xf32, #tpu.memory_space<vmem_shared>>)
        tpu.yield
      }) : () -> ()
    } else {
    }
    %ne3A = arith.constant 15 : i32
    %ne3A_22 = arith.cmpi ne, %arg1, %ne3A : i32
    %convert_element_type3A_23 = arith.extui %ne3A_22 : i1 to i32
    %cond3A_24 = arith.constant 0 : i32
    %cond3A_25 = arith.cmpi ne, %convert_element_type3A_23, %cond3A_24 : i32
    scf.if %cond3A_25 {
      %add3A_166 = arith.constant 560 : i32
      %add3A_167 = arith.addi %mul3A_6, %add3A_166 : i32
      "tpu.region"() ({
        %run_scoped3A_168 = tpu.sem_alloc : memref<!tpu.dma_semaphore, #tpu.memory_space<semaphore_mem>>
        %dma_start3A_169 = arith.constant 0 : i32
        %dma_start3A_170 = arith.constant 0 : i32
        %dma_start3A_171 = tpu.memref_slice %arg5[%dma_start3A_169, %dma_start3A_170] : memref<80x128xf32, #tpu.memory_space<vmem>> -> memref<64x128xf32, #tpu.memory_space<vmem>>
        %dma_start3A_172 = arith.constant 0 : i32
        %dma_start3A_173 = tpu.memref_slice %arg13[%add3A_167, %dma_start3A_172] : memref<10000x128xf32, #tpu.memory_space<vmem_shared>> -> memref<64x128xf32, #tpu.memory_space<vmem_shared>>
        %dma_start3A_174 = arith.constant 0 : i32
        %dma_start3A_175 = tpu.memref_slice %arg13[%add3A_167, %dma_start3A_174] : memref<10000x128xf32, #tpu.memory_space<vmem_shared>> -> memref<64x128xf32, #tpu.memory_space<vmem_shared>>
        %dma_start3A_176 = arith.constant 0 : i32
        %dma_start3A_177 = arith.constant 0 : i32
        %dma_start3A_178 = tpu.memref_slice %arg5[%dma_start3A_176, %dma_start3A_177] : memref<80x128xf32, #tpu.memory_space<vmem>> -> memref<64x128xf32, #tpu.memory_space<vmem>>
        tpu.enqueue_dma source(%dma_start3A_178 : memref<64x128xf32, #tpu.memory_space<vmem>>) target(%dma_start3A_175 : memref<64x128xf32, #tpu.memory_space<vmem_shared>>) target_semaphore(%run_scoped3A_168 : memref<!tpu.dma_semaphore, #tpu.memory_space<semaphore_mem>>)
        %dma_wait3A_179 = arith.constant 0 : i32
        %dma_wait3A_180 = arith.constant 0 : i32
        %dma_wait3A_181 = tpu.memref_slice %arg5[%dma_wait3A_179, %dma_wait3A_180] : memref<80x128xf32, #tpu.memory_space<vmem>> -> memref<64x128xf32, #tpu.memory_space<vmem>>
        %dma_wait3A_182 = arith.constant 0 : i32
        %dma_wait3A_183 = tpu.memref_slice %arg13[%add3A_167, %dma_wait3A_182] : memref<10000x128xf32, #tpu.memory_space<vmem_shared>> -> memref<64x128xf32, #tpu.memory_space<vmem_shared>>
        %dma_wait3A_184 = arith.constant 0 : i32
        %dma_wait3A_185 = tpu.memref_slice %arg13[%add3A_167, %dma_wait3A_184] : memref<10000x128xf32, #tpu.memory_space<vmem_shared>> -> memref<64x128xf32, #tpu.memory_space<vmem_shared>>
        %dma_wait3A_186 = arith.constant 0 : i32
        %dma_wait3A_187 = arith.constant 0 : i32
        %dma_wait3A_188 = tpu.memref_slice %arg5[%dma_wait3A_186, %dma_wait3A_187] : memref<80x128xf32, #tpu.memory_space<vmem>> -> memref<64x128xf32, #tpu.memory_space<vmem>>
        tpu.wait_dma2 semaphore(%run_scoped3A_168 : memref<!tpu.dma_semaphore, #tpu.memory_space<semaphore_mem>>) src(%dma_wait3A_188 : memref<64x128xf32, #tpu.memory_space<vmem>>) dst(%dma_wait3A_185 : memref<64x128xf32, #tpu.memory_space<vmem_shared>>)
        tpu.yield
      }) : () -> ()
    } else {
    }
    %barrier3A = arith.constant 0 : index
    tpu.barrier barrier_id(%barrier3A)
    %mul3A_26 = arith.constant 20000 : i32
    %mul3A_27 = arith.muli %arg1, %mul3A_26 : i32
    %add3A_28 = arith.constant 0 : i32
    %add3A_29 = arith.addi %mul3A_27, %add3A_28 : i32
    %dma_start3A = arith.constant 0 : i32
    %dma_start3A_30 = tpu.memref_slice %arg2[%arg0, %add3A_29, %dma_start3A] : memref<2x320000x128xf32, #tpu.memory_space<hbm>> -> memref<1x80x128xf32, #tpu.memory_space<hbm>>
    %dma_start3A_31 = tpu.memref_squeeze %dma_start3A_30 : memref<1x80x128xf32, #tpu.memory_space<hbm>> -> memref<80x128xf32, #tpu.memory_space<hbm>>
    %dma_start3A_32 = arith.constant 0 : i32
    %dma_start3A_33 = tpu.memref_slice %arg2[%arg0, %add3A_29, %dma_start3A_32] : memref<2x320000x128xf32, #tpu.memory_space<hbm>> -> memref<1x80x128xf32, #tpu.memory_space<hbm>>
    %dma_start3A_34 = tpu.memref_squeeze %dma_start3A_33 : memref<1x80x128xf32, #tpu.memory_space<hbm>> -> memref<80x128xf32, #tpu.memory_space<hbm>>
    tpu.enqueue_dma source(%dma_start3A_34 : memref<80x128xf32, #tpu.memory_space<hbm>>) target(%arg5 : memref<80x128xf32, #tpu.memory_space<vmem>>) target_semaphore(%arg14 : memref<!tpu.dma_semaphore, #tpu.memory_space<semaphore_mem>>)
    %mul3A_35 = arith.constant 250 : i32
    %mul3A_36 = arith.muli %arg1, %mul3A_35 : i32
    %add3A_37 = arith.constant 0 : i32
    %add3A_38 = arith.addi %mul3A_36, %add3A_37 : i32
    %dma_start3A_39 = arith.constant 0 : i32
    %dma_start3A_40 = arith.constant 0 : i32
    %dma_start3A_41 = tpu.memref_slice %arg3[%add3A_38, %dma_start3A_39, %dma_start3A_40] : memref<4000x1x80xi32, #tpu.memory_space<hbm>> -> memref<1x1x80xi32, #tpu.memory_space<hbm>>
    %dma_start3A_42 = tpu.memref_squeeze %dma_start3A_41 : memref<1x1x80xi32, #tpu.memory_space<hbm>> -> memref<1x80xi32, #tpu.memory_space<hbm>>
    %dma_start3A_43 = arith.constant 0 : i32
    %dma_start3A_44 = arith.constant 0 : i32
    %dma_start3A_45 = tpu.memref_slice %arg3[%add3A_38, %dma_start3A_43, %dma_start3A_44] : memref<4000x1x80xi32, #tpu.memory_space<hbm>> -> memref<1x1x80xi32, #tpu.memory_space<hbm>>
    %dma_start3A_46 = tpu.memref_squeeze %dma_start3A_45 : memref<1x1x80xi32, #tpu.memory_space<hbm>> -> memref<1x80xi32, #tpu.memory_space<hbm>>
    tpu.enqueue_dma source(%dma_start3A_46 : memref<1x80xi32, #tpu.memory_space<hbm>>) target(%arg9 : memref<1x80xi32, #tpu.memory_space<vmem>>) target_semaphore(%arg18 : memref<!tpu.dma_semaphore, #tpu.memory_space<semaphore_mem>>)
    %mul3A_47 = arith.constant 20000 : i32
    %mul3A_48 = arith.muli %arg1, %mul3A_47 : i32
    %add3A_49 = arith.constant 80 : i32
    %add3A_50 = arith.addi %mul3A_48, %add3A_49 : i32
    %dma_start3A_51 = arith.constant 0 : i32
    %dma_start3A_52 = tpu.memref_slice %arg2[%arg0, %add3A_50, %dma_start3A_51] : memref<2x320000x128xf32, #tpu.memory_space<hbm>> -> memref<1x80x128xf32, #tpu.memory_space<hbm>>
    %dma_start3A_53 = tpu.memref_squeeze %dma_start3A_52 : memref<1x80x128xf32, #tpu.memory_space<hbm>> -> memref<80x128xf32, #tpu.memory_space<hbm>>
    %dma_start3A_54 = arith.constant 0 : i32
    %dma_start3A_55 = tpu.memref_slice %arg2[%arg0, %add3A_50, %dma_start3A_54] : memref<2x320000x128xf32, #tpu.memory_space<hbm>> -> memref<1x80x128xf32, #tpu.memory_space<hbm>>
    %dma_start3A_56 = tpu.memref_squeeze %dma_start3A_55 : memref<1x80x128xf32, #tpu.memory_space<hbm>> -> memref<80x128xf32, #tpu.memory_space<hbm>>
    tpu.enqueue_dma source(%dma_start3A_56 : memref<80x128xf32, #tpu.memory_space<hbm>>) target(%arg6 : memref<80x128xf32, #tpu.memory_space<vmem>>) target_semaphore(%arg15 : memref<!tpu.dma_semaphore, #tpu.memory_space<semaphore_mem>>)
    %mul3A_57 = arith.constant 250 : i32
    %mul3A_58 = arith.muli %arg1, %mul3A_57 : i32
    %add3A_59 = arith.constant 1 : i32
    %add3A_60 = arith.addi %mul3A_58, %add3A_59 : i32
    %dma_start3A_61 = arith.constant 0 : i32
    %dma_start3A_62 = arith.constant 0 : i32
    %dma_start3A_63 = tpu.memref_slice %arg3[%add3A_60, %dma_start3A_61, %dma_start3A_62] : memref<4000x1x80xi32, #tpu.memory_space<hbm>> -> memref<1x1x80xi32, #tpu.memory_space<hbm>>
    %dma_start3A_64 = tpu.memref_squeeze %dma_start3A_63 : memref<1x1x80xi32, #tpu.memory_space<hbm>> -> memref<1x80xi32, #tpu.memory_space<hbm>>
    %dma_start3A_65 = arith.constant 0 : i32
    %dma_start3A_66 = arith.constant 0 : i32
    %dma_start3A_67 = tpu.memref_slice %arg3[%add3A_60, %dma_start3A_65, %dma_start3A_66] : memref<4000x1x80xi32, #tpu.memory_space<hbm>> -> memref<1x1x80xi32, #tpu.memory_space<hbm>>
    %dma_start3A_68 = tpu.memref_squeeze %dma_start3A_67 : memref<1x1x80xi32, #tpu.memory_space<hbm>> -> memref<1x80xi32, #tpu.memory_space<hbm>>
    tpu.enqueue_dma source(%dma_start3A_68 : memref<1x80xi32, #tpu.memory_space<hbm>>) target(%arg10 : memref<1x80xi32, #tpu.memory_space<vmem>>) target_semaphore(%arg19 : memref<!tpu.dma_semaphore, #tpu.memory_space<semaphore_mem>>)
    %mul3A_69 = arith.constant 20000 : i32
    %mul3A_70 = arith.muli %arg1, %mul3A_69 : i32
    %add3A_71 = arith.constant 160 : i32
    %add3A_72 = arith.addi %mul3A_70, %add3A_71 : i32
    %dma_start3A_73 = arith.constant 0 : i32
    %dma_start3A_74 = tpu.memref_slice %arg2[%arg0, %add3A_72, %dma_start3A_73] : memref<2x320000x128xf32, #tpu.memory_space<hbm>> -> memref<1x80x128xf32, #tpu.memory_space<hbm>>
    %dma_start3A_75 = tpu.memref_squeeze %dma_start3A_74 : memref<1x80x128xf32, #tpu.memory_space<hbm>> -> memref<80x128xf32, #tpu.memory_space<hbm>>
    %dma_start3A_76 = arith.constant 0 : i32
    %dma_start3A_77 = tpu.memref_slice %arg2[%arg0, %add3A_72, %dma_start3A_76] : memref<2x320000x128xf32, #tpu.memory_space<hbm>> -> memref<1x80x128xf32, #tpu.memory_space<hbm>>
    %dma_start3A_78 = tpu.memref_squeeze %dma_start3A_77 : memref<1x80x128xf32, #tpu.memory_space<hbm>> -> memref<80x128xf32, #tpu.memory_space<hbm>>
    tpu.enqueue_dma source(%dma_start3A_78 : memref<80x128xf32, #tpu.memory_space<hbm>>) target(%arg7 : memref<80x128xf32, #tpu.memory_space<vmem>>) target_semaphore(%arg16 : memref<!tpu.dma_semaphore, #tpu.memory_space<semaphore_mem>>)
    %mul3A_79 = arith.constant 250 : i32
    %mul3A_80 = arith.muli %arg1, %mul3A_79 : i32
    %add3A_81 = arith.constant 2 : i32
    %add3A_82 = arith.addi %mul3A_80, %add3A_81 : i32
    %dma_start3A_83 = arith.constant 0 : i32
    %dma_start3A_84 = arith.constant 0 : i32
    %dma_start3A_85 = tpu.memref_slice %arg3[%add3A_82, %dma_start3A_83, %dma_start3A_84] : memref<4000x1x80xi32, #tpu.memory_space<hbm>> -> memref<1x1x80xi32, #tpu.memory_space<hbm>>
    %dma_start3A_86 = tpu.memref_squeeze %dma_start3A_85 : memref<1x1x80xi32, #tpu.memory_space<hbm>> -> memref<1x80xi32, #tpu.memory_space<hbm>>
    %dma_start3A_87 = arith.constant 0 : i32
    %dma_start3A_88 = arith.constant 0 : i32
    %dma_start3A_89 = tpu.memref_slice %arg3[%add3A_82, %dma_start3A_87, %dma_start3A_88] : memref<4000x1x80xi32, #tpu.memory_space<hbm>> -> memref<1x1x80xi32, #tpu.memory_space<hbm>>
    %dma_start3A_90 = tpu.memref_squeeze %dma_start3A_89 : memref<1x1x80xi32, #tpu.memory_space<hbm>> -> memref<1x80xi32, #tpu.memory_space<hbm>>
    tpu.enqueue_dma source(%dma_start3A_90 : memref<1x80xi32, #tpu.memory_space<hbm>>) target(%arg11 : memref<1x80xi32, #tpu.memory_space<vmem>>) target_semaphore(%arg20 : memref<!tpu.dma_semaphore, #tpu.memory_space<semaphore_mem>>)
    %mul3A_91 = arith.constant 20000 : i32
    %mul3A_92 = arith.muli %arg1, %mul3A_91 : i32
    %add3A_93 = arith.constant 240 : i32
    %add3A_94 = arith.addi %mul3A_92, %add3A_93 : i32
    %dma_start3A_95 = arith.constant 0 : i32
    %dma_start3A_96 = tpu.memref_slice %arg2[%arg0, %add3A_94, %dma_start3A_95] : memref<2x320000x128xf32, #tpu.memory_space<hbm>> -> memref<1x80x128xf32, #tpu.memory_space<hbm>>
    %dma_start3A_97 = tpu.memref_squeeze %dma_start3A_96 : memref<1x80x128xf32, #tpu.memory_space<hbm>> -> memref<80x128xf32, #tpu.memory_space<hbm>>
    %dma_start3A_98 = arith.constant 0 : i32
    %dma_start3A_99 = tpu.memref_slice %arg2[%arg0, %add3A_94, %dma_start3A_98] : memref<2x320000x128xf32, #tpu.memory_space<hbm>> -> memref<1x80x128xf32, #tpu.memory_space<hbm>>
    %dma_start3A_100 = tpu.memref_squeeze %dma_start3A_99 : memref<1x80x128xf32, #tpu.memory_space<hbm>> -> memref<80x128xf32, #tpu.memory_space<hbm>>
    tpu.enqueue_dma source(%dma_start3A_100 : memref<80x128xf32, #tpu.memory_space<hbm>>) target(%arg8 : memref<80x128xf32, #tpu.memory_space<vmem>>) target_semaphore(%arg17 : memref<!tpu.dma_semaphore, #tpu.memory_space<semaphore_mem>>)
    %mul3A_101 = arith.constant 250 : i32
    %mul3A_102 = arith.muli %arg1, %mul3A_101 : i32
    %add3A_103 = arith.constant 3 : i32
    %add3A_104 = arith.addi %mul3A_102, %add3A_103 : i32
    %dma_start3A_105 = arith.constant 0 : i32
    %dma_start3A_106 = arith.constant 0 : i32
    %dma_start3A_107 = tpu.memref_slice %arg3[%add3A_104, %dma_start3A_105, %dma_start3A_106] : memref<4000x1x80xi32, #tpu.memory_space<hbm>> -> memref<1x1x80xi32, #tpu.memory_space<hbm>>
    %dma_start3A_108 = tpu.memref_squeeze %dma_start3A_107 : memref<1x1x80xi32, #tpu.memory_space<hbm>> -> memref<1x80xi32, #tpu.memory_space<hbm>>
    %dma_start3A_109 = arith.constant 0 : i32
    %dma_start3A_110 = arith.constant 0 : i32
    %dma_start3A_111 = tpu.memref_slice %arg3[%add3A_104, %dma_start3A_109, %dma_start3A_110] : memref<4000x1x80xi32, #tpu.memory_space<hbm>> -> memref<1x1x80xi32, #tpu.memory_space<hbm>>
    %dma_start3A_112 = tpu.memref_squeeze %dma_start3A_111 : memref<1x1x80xi32, #tpu.memory_space<hbm>> -> memref<1x80xi32, #tpu.memory_space<hbm>>
    tpu.enqueue_dma source(%dma_start3A_112 : memref<1x80xi32, #tpu.memory_space<hbm>>) target(%arg12 : memref<1x80xi32, #tpu.memory_space<vmem>>) target_semaphore(%arg21 : memref<!tpu.dma_semaphore, #tpu.memory_space<semaphore_mem>>)
    %scan3A_113 = arith.constant 0 : i32
    %scan3A_114 = arith.constant 0 : i32
    %scan3A_115 = arith.constant 62 : i32
    %scan3A_116 = arith.addi %scan3A_114, %scan3A_115 : i32
    %scan3A_117 = arith.constant 1 : i32
    scf.for %scan3A_166 = %scan3A_114 to %scan3A_116 step %scan3A_117  : i32 {
      %mul3A_167 = arith.constant 4 : i32
      %mul3A_168 = arith.muli %mul3A_167, %scan3A_166 : i32
      %add3A_169 = arith.constant 0 : i32
      %add3A_170 = arith.addi %mul3A_168, %add3A_169 : i32
      %dma_wait3A_171 = arith.constant 0 : i32
      %dma_wait3A_172 = arith.constant 0 : i32
      %dma_wait3A_173 = arith.constant 0 : i32
      %dma_wait3A_174 = tpu.memref_slice %arg2[%dma_wait3A_171, %dma_wait3A_172, %dma_wait3A_173] : memref<2x320000x128xf32, #tpu.memory_space<hbm>> -> memref<1x80x128xf32, #tpu.memory_space<hbm>>
      %dma_wait3A_175 = tpu.memref_squeeze %dma_wait3A_174 : memref<1x80x128xf32, #tpu.memory_space<hbm>> -> memref<80x128xf32, #tpu.memory_space<hbm>>
      %dma_wait3A_176 = arith.constant 0 : i32
      %dma_wait3A_177 = arith.constant 0 : i32
      %dma_wait3A_178 = tpu.memref_slice %arg2[%dma_wait3A_171, %dma_wait3A_176, %dma_wait3A_177] : memref<2x320000x128xf32, #tpu.memory_space<hbm>> -> memref<1x80x128xf32, #tpu.memory_space<hbm>>
      %dma_wait3A_179 = tpu.memref_squeeze %dma_wait3A_178 : memref<1x80x128xf32, #tpu.memory_space<hbm>> -> memref<80x128xf32, #tpu.memory_space<hbm>>
      tpu.wait_dma2 semaphore(%arg14 : memref<!tpu.dma_semaphore, #tpu.memory_space<semaphore_mem>>) src(%dma_wait3A_179 : memref<80x128xf32, #tpu.memory_space<hbm>>) dst(%arg5 : memref<80x128xf32, #tpu.memory_space<vmem>>)
      %dma_wait3A_180 = arith.constant 0 : i32
      %dma_wait3A_181 = arith.constant 0 : i32
      %dma_wait3A_182 = arith.constant 0 : i32
      %dma_wait3A_183 = tpu.memref_slice %arg3[%dma_wait3A_180, %dma_wait3A_181, %dma_wait3A_182] : memref<4000x1x80xi32, #tpu.memory_space<hbm>> -> memref<1x1x80xi32, #tpu.memory_space<hbm>>
      %dma_wait3A_184 = tpu.memref_squeeze %dma_wait3A_183 : memref<1x1x80xi32, #tpu.memory_space<hbm>> -> memref<1x80xi32, #tpu.memory_space<hbm>>
      %dma_wait3A_185 = arith.constant 0 : i32
      %dma_wait3A_186 = arith.constant 0 : i32
      %dma_wait3A_187 = tpu.memref_slice %arg3[%dma_wait3A_180, %dma_wait3A_185, %dma_wait3A_186] : memref<4000x1x80xi32, #tpu.memory_space<hbm>> -> memref<1x1x80xi32, #tpu.memory_space<hbm>>
      %dma_wait3A_188 = tpu.memref_squeeze %dma_wait3A_187 : memref<1x1x80xi32, #tpu.memory_space<hbm>> -> memref<1x80xi32, #tpu.memory_space<hbm>>
      tpu.wait_dma2 semaphore(%arg18 : memref<!tpu.dma_semaphore, #tpu.memory_space<semaphore_mem>>) src(%dma_wait3A_188 : memref<1x80xi32, #tpu.memory_space<hbm>>) dst(%arg9 : memref<1x80xi32, #tpu.memory_space<vmem>>)
      %run_scoped3A_189 = arith.constant 0 : i32
      "tpu.region"() ({
        %run_scoped3A_286 = tpu.sem_alloc : memref<!tpu.dma_semaphore, #tpu.memory_space<semaphore_mem>>
        %dma_start3A_287 = arith.constant 0 : i32
        %dma_start3A_288 = arith.constant 0 : i32
        %dma_start3A_289 = tpu.memref_slice %arg5[%dma_start3A_287, %dma_start3A_288] : memref<80x128xf32, #tpu.memory_space<vmem>> -> memref<80x128xf32, #tpu.memory_space<vmem>>
        %dma_start3A_290 = arith.constant 0 : i32
        %dma_start3A_291 = tpu.memref_slice %arg9[%run_scoped3A_189, %dma_start3A_290] : memref<1x80xi32, #tpu.memory_space<vmem>> -> memref<1x80xi32, #tpu.memory_space<vmem>>
        %dma_start3A_292 = tpu.memref_squeeze %dma_start3A_291 : memref<1x80xi32, #tpu.memory_space<vmem>> -> memref<80xi32, #tpu.memory_space<vmem>>
        %dma_start3A_293 = arith.constant 0 : i32
        %dma_start3A_294 = arith.constant 0 : i32
        %dma_start3A_295 = tpu.memref_slice %arg13[%dma_start3A_293, %dma_start3A_294] : memref<10000x128xf32, #tpu.memory_space<vmem_shared>> -> memref<10000x128xf32, #tpu.memory_space<vmem_shared>>
        tpu.enqueue_indirect_dma source(%dma_start3A_289 : memref<80x128xf32, #tpu.memory_space<vmem>>) target(%dma_start3A_295 : memref<10000x128xf32, #tpu.memory_space<vmem_shared>>) offsets(%dma_start3A_292 : memref<80xi32, #tpu.memory_space<vmem>>) semaphore(%run_scoped3A_286 : memref<!tpu.dma_semaphore, #tpu.memory_space<semaphore_mem>>) {add = true}
        %dma_wait3A_296 = arith.constant 0 : i32
        %dma_wait3A_297 = arith.constant 0 : i32
        %dma_wait3A_298 = tpu.memref_slice %arg5[%dma_wait3A_296, %dma_wait3A_297] : memref<80x128xf32, #tpu.memory_space<vmem>> -> memref<80x128xf32, #tpu.memory_space<vmem>>
        %dma_wait3A_299 = arith.constant 0 : i32
        %dma_wait3A_300 = tpu.memref_slice %arg9[%run_scoped3A_189, %dma_wait3A_299] : memref<1x80xi32, #tpu.memory_space<vmem>> -> memref<1x80xi32, #tpu.memory_space<vmem>>
        %dma_wait3A_301 = tpu.memref_squeeze %dma_wait3A_300 : memref<1x80xi32, #tpu.memory_space<vmem>> -> memref<80xi32, #tpu.memory_space<vmem>>
        %dma_wait3A_302 = arith.constant 0 : i32
        %dma_wait3A_303 = arith.constant 0 : i32
        %dma_wait3A_304 = tpu.memref_slice %arg13[%dma_wait3A_302, %dma_wait3A_303] : memref<10000x128xf32, #tpu.memory_space<vmem_shared>> -> memref<10000x128xf32, #tpu.memory_space<vmem_shared>>
        tpu.wait_indirect_dma semaphore(%run_scoped3A_286 : memref<!tpu.dma_semaphore, #tpu.memory_space<semaphore_mem>>) src(%dma_wait3A_298 : memref<80x128xf32, #tpu.memory_space<vmem>>) dst(%dma_wait3A_304 : memref<10000x128xf32, #tpu.memory_space<vmem_shared>>)
        tpu.yield
      }) : () -> ()
      %add3A_190 = arith.constant 4 : i32
      %add3A_191 = arith.addi %add3A_170, %add3A_190 : i32
      %lt3A = arith.constant 250 : i32
      %lt3A_192 = arith.cmpi slt, %add3A_191, %lt3A : i32
      %convert_element_type3A_193 = arith.extui %lt3A_192 : i1 to i32
      %cond3A_194 = arith.constant 0 : i32
      %cond3A_195 = arith.cmpi ne, %convert_element_type3A_193, %cond3A_194 : i32
      scf.if %cond3A_195 {
        %add3A_286 = arith.constant 4 : i32
        %add3A_287 = arith.addi %add3A_170, %add3A_286 : i32
        %mul3A_288 = arith.constant 20000 : i32
        %mul3A_289 = arith.muli %arg1, %mul3A_288 : i32
        %mul3A_290 = arith.constant 80 : i32
        %mul3A_291 = arith.muli %add3A_287, %mul3A_290 : i32
        %add3A_292 = arith.addi %mul3A_289, %mul3A_291 : i32
        %dma_start3A_293 = arith.constant 0 : i32
        %dma_start3A_294 = tpu.memref_slice %arg2[%arg0, %add3A_292, %dma_start3A_293] : memref<2x320000x128xf32, #tpu.memory_space<hbm>> -> memref<1x80x128xf32, #tpu.memory_space<hbm>>
        %dma_start3A_295 = tpu.memref_squeeze %dma_start3A_294 : memref<1x80x128xf32, #tpu.memory_space<hbm>> -> memref<80x128xf32, #tpu.memory_space<hbm>>
        %dma_start3A_296 = arith.constant 0 : i32
        %dma_start3A_297 = tpu.memref_slice %arg2[%arg0, %add3A_292, %dma_start3A_296] : memref<2x320000x128xf32, #tpu.memory_space<hbm>> -> memref<1x80x128xf32, #tpu.memory_space<hbm>>
        %dma_start3A_298 = tpu.memref_squeeze %dma_start3A_297 : memref<1x80x128xf32, #tpu.memory_space<hbm>> -> memref<80x128xf32, #tpu.memory_space<hbm>>
        tpu.enqueue_dma source(%dma_start3A_298 : memref<80x128xf32, #tpu.memory_space<hbm>>) target(%arg5 : memref<80x128xf32, #tpu.memory_space<vmem>>) target_semaphore(%arg14 : memref<!tpu.dma_semaphore, #tpu.memory_space<semaphore_mem>>)
        %mul3A_299 = arith.constant 250 : i32
        %mul3A_300 = arith.muli %arg1, %mul3A_299 : i32
        %add3A_301 = arith.addi %mul3A_300, %add3A_287 : i32
        %dma_start3A_302 = arith.constant 0 : i32
        %dma_start3A_303 = arith.constant 0 : i32
        %dma_start3A_304 = tpu.memref_slice %arg3[%add3A_301, %dma_start3A_302, %dma_start3A_303] : memref<4000x1x80xi32, #tpu.memory_space<hbm>> -> memref<1x1x80xi32, #tpu.memory_space<hbm>>
        %dma_start3A_305 = tpu.memref_squeeze %dma_start3A_304 : memref<1x1x80xi32, #tpu.memory_space<hbm>> -> memref<1x80xi32, #tpu.memory_space<hbm>>
        %dma_start3A_306 = arith.constant 0 : i32
        %dma_start3A_307 = arith.constant 0 : i32
        %dma_start3A_308 = tpu.memref_slice %arg3[%add3A_301, %dma_start3A_306, %dma_start3A_307] : memref<4000x1x80xi32, #tpu.memory_space<hbm>> -> memref<1x1x80xi32, #tpu.memory_space<hbm>>
        %dma_start3A_309 = tpu.memref_squeeze %dma_start3A_308 : memref<1x1x80xi32, #tpu.memory_space<hbm>> -> memref<1x80xi32, #tpu.memory_space<hbm>>
        tpu.enqueue_dma source(%dma_start3A_309 : memref<1x80xi32, #tpu.memory_space<hbm>>) target(%arg9 : memref<1x80xi32, #tpu.memory_space<vmem>>) target_semaphore(%arg18 : memref<!tpu.dma_semaphore, #tpu.memory_space<semaphore_mem>>)
      } else {
      }
      %mul3A_196 = arith.constant 4 : i32
      %mul3A_197 = arith.muli %mul3A_196, %scan3A_166 : i32
      %add3A_198 = arith.constant 1 : i32
      %add3A_199 = arith.addi %mul3A_197, %add3A_198 : i32
      %dma_wait3A_200 = arith.constant 0 : i32
      %dma_wait3A_201 = arith.constant 0 : i32
      %dma_wait3A_202 = arith.constant 0 : i32
      %dma_wait3A_203 = tpu.memref_slice %arg2[%dma_wait3A_200, %dma_wait3A_201, %dma_wait3A_202] : memref<2x320000x128xf32, #tpu.memory_space<hbm>> -> memref<1x80x128xf32, #tpu.memory_space<hbm>>
      %dma_wait3A_204 = tpu.memref_squeeze %dma_wait3A_203 : memref<1x80x128xf32, #tpu.memory_space<hbm>> -> memref<80x128xf32, #tpu.memory_space<hbm>>
      %dma_wait3A_205 = arith.constant 0 : i32
      %dma_wait3A_206 = arith.constant 0 : i32
      %dma_wait3A_207 = tpu.memref_slice %arg2[%dma_wait3A_200, %dma_wait3A_205, %dma_wait3A_206] : memref<2x320000x128xf32, #tpu.memory_space<hbm>> -> memref<1x80x128xf32, #tpu.memory_space<hbm>>
      %dma_wait3A_208 = tpu.memref_squeeze %dma_wait3A_207 : memref<1x80x128xf32, #tpu.memory_space<hbm>> -> memref<80x128xf32, #tpu.memory_space<hbm>>
      tpu.wait_dma2 semaphore(%arg15 : memref<!tpu.dma_semaphore, #tpu.memory_space<semaphore_mem>>) src(%dma_wait3A_208 : memref<80x128xf32, #tpu.memory_space<hbm>>) dst(%arg6 : memref<80x128xf32, #tpu.memory_space<vmem>>)
      %dma_wait3A_209 = arith.constant 0 : i32
      %dma_wait3A_210 = arith.constant 0 : i32
      %dma_wait3A_211 = arith.constant 0 : i32
      %dma_wait3A_212 = tpu.memref_slice %arg3[%dma_wait3A_209, %dma_wait3A_210, %dma_wait3A_211] : memref<4000x1x80xi32, #tpu.memory_space<hbm>> -> memref<1x1x80xi32, #tpu.memory_space<hbm>>
      %dma_wait3A_213 = tpu.memref_squeeze %dma_wait3A_212 : memref<1x1x80xi32, #tpu.memory_space<hbm>> -> memref<1x80xi32, #tpu.memory_space<hbm>>
      %dma_wait3A_214 = arith.constant 0 : i32
      %dma_wait3A_215 = arith.constant 0 : i32
      %dma_wait3A_216 = tpu.memref_slice %arg3[%dma_wait3A_209, %dma_wait3A_214, %dma_wait3A_215] : memref<4000x1x80xi32, #tpu.memory_space<hbm>> -> memref<1x1x80xi32, #tpu.memory_space<hbm>>
      %dma_wait3A_217 = tpu.memref_squeeze %dma_wait3A_216 : memref<1x1x80xi32, #tpu.memory_space<hbm>> -> memref<1x80xi32, #tpu.memory_space<hbm>>
      tpu.wait_dma2 semaphore(%arg19 : memref<!tpu.dma_semaphore, #tpu.memory_space<semaphore_mem>>) src(%dma_wait3A_217 : memref<1x80xi32, #tpu.memory_space<hbm>>) dst(%arg10 : memref<1x80xi32, #tpu.memory_space<vmem>>)
      %run_scoped3A_218 = arith.constant 0 : i32
      "tpu.region"() ({
        %run_scoped3A_286 = tpu.sem_alloc : memref<!tpu.dma_semaphore, #tpu.memory_space<semaphore_mem>>
        %dma_start3A_287 = arith.constant 0 : i32
        %dma_start3A_288 = arith.constant 0 : i32
        %dma_start3A_289 = tpu.memref_slice %arg6[%dma_start3A_287, %dma_start3A_288] : memref<80x128xf32, #tpu.memory_space<vmem>> -> memref<80x128xf32, #tpu.memory_space<vmem>>
        %dma_start3A_290 = arith.constant 0 : i32
        %dma_start3A_291 = tpu.memref_slice %arg10[%run_scoped3A_218, %dma_start3A_290] : memref<1x80xi32, #tpu.memory_space<vmem>> -> memref<1x80xi32, #tpu.memory_space<vmem>>
        %dma_start3A_292 = tpu.memref_squeeze %dma_start3A_291 : memref<1x80xi32, #tpu.memory_space<vmem>> -> memref<80xi32, #tpu.memory_space<vmem>>
        %dma_start3A_293 = arith.constant 0 : i32
        %dma_start3A_294 = arith.constant 0 : i32
        %dma_start3A_295 = tpu.memref_slice %arg13[%dma_start3A_293, %dma_start3A_294] : memref<10000x128xf32, #tpu.memory_space<vmem_shared>> -> memref<10000x128xf32, #tpu.memory_space<vmem_shared>>
        tpu.enqueue_indirect_dma source(%dma_start3A_289 : memref<80x128xf32, #tpu.memory_space<vmem>>) target(%dma_start3A_295 : memref<10000x128xf32, #tpu.memory_space<vmem_shared>>) offsets(%dma_start3A_292 : memref<80xi32, #tpu.memory_space<vmem>>) semaphore(%run_scoped3A_286 : memref<!tpu.dma_semaphore, #tpu.memory_space<semaphore_mem>>) {add = true}
        %dma_wait3A_296 = arith.constant 0 : i32
        %dma_wait3A_297 = arith.constant 0 : i32
        %dma_wait3A_298 = tpu.memref_slice %arg6[%dma_wait3A_296, %dma_wait3A_297] : memref<80x128xf32, #tpu.memory_space<vmem>> -> memref<80x128xf32, #tpu.memory_space<vmem>>
        %dma_wait3A_299 = arith.constant 0 : i32
        %dma_wait3A_300 = tpu.memref_slice %arg10[%run_scoped3A_218, %dma_wait3A_299] : memref<1x80xi32, #tpu.memory_space<vmem>> -> memref<1x80xi32, #tpu.memory_space<vmem>>
        %dma_wait3A_301 = tpu.memref_squeeze %dma_wait3A_300 : memref<1x80xi32, #tpu.memory_space<vmem>> -> memref<80xi32, #tpu.memory_space<vmem>>
        %dma_wait3A_302 = arith.constant 0 : i32
        %dma_wait3A_303 = arith.constant 0 : i32
        %dma_wait3A_304 = tpu.memref_slice %arg13[%dma_wait3A_302, %dma_wait3A_303] : memref<10000x128xf32, #tpu.memory_space<vmem_shared>> -> memref<10000x128xf32, #tpu.memory_space<vmem_shared>>
        tpu.wait_indirect_dma semaphore(%run_scoped3A_286 : memref<!tpu.dma_semaphore, #tpu.memory_space<semaphore_mem>>) src(%dma_wait3A_298 : memref<80x128xf32, #tpu.memory_space<vmem>>) dst(%dma_wait3A_304 : memref<10000x128xf32, #tpu.memory_space<vmem_shared>>)
        tpu.yield
      }) : () -> ()
      %add3A_219 = arith.constant 4 : i32
      %add3A_220 = arith.addi %add3A_199, %add3A_219 : i32
      %lt3A_221 = arith.constant 250 : i32
      %lt3A_222 = arith.cmpi slt, %add3A_220, %lt3A_221 : i32
      %convert_element_type3A_223 = arith.extui %lt3A_222 : i1 to i32
      %cond3A_224 = arith.constant 0 : i32
      %cond3A_225 = arith.cmpi ne, %convert_element_type3A_223, %cond3A_224 : i32
      scf.if %cond3A_225 {
        %add3A_286 = arith.constant 4 : i32
        %add3A_287 = arith.addi %add3A_199, %add3A_286 : i32
        %mul3A_288 = arith.constant 20000 : i32
        %mul3A_289 = arith.muli %arg1, %mul3A_288 : i32
        %mul3A_290 = arith.constant 80 : i32
        %mul3A_291 = arith.muli %add3A_287, %mul3A_290 : i32
        %add3A_292 = arith.addi %mul3A_289, %mul3A_291 : i32
        %dma_start3A_293 = arith.constant 0 : i32
        %dma_start3A_294 = tpu.memref_slice %arg2[%arg0, %add3A_292, %dma_start3A_293] : memref<2x320000x128xf32, #tpu.memory_space<hbm>> -> memref<1x80x128xf32, #tpu.memory_space<hbm>>
        %dma_start3A_295 = tpu.memref_squeeze %dma_start3A_294 : memref<1x80x128xf32, #tpu.memory_space<hbm>> -> memref<80x128xf32, #tpu.memory_space<hbm>>
        %dma_start3A_296 = arith.constant 0 : i32
        %dma_start3A_297 = tpu.memref_slice %arg2[%arg0, %add3A_292, %dma_start3A_296] : memref<2x320000x128xf32, #tpu.memory_space<hbm>> -> memref<1x80x128xf32, #tpu.memory_space<hbm>>
        %dma_start3A_298 = tpu.memref_squeeze %dma_start3A_297 : memref<1x80x128xf32, #tpu.memory_space<hbm>> -> memref<80x128xf32, #tpu.memory_space<hbm>>
        tpu.enqueue_dma source(%dma_start3A_298 : memref<80x128xf32, #tpu.memory_space<hbm>>) target(%arg6 : memref<80x128xf32, #tpu.memory_space<vmem>>) target_semaphore(%arg15 : memref<!tpu.dma_semaphore, #tpu.memory_space<semaphore_mem>>)
        %mul3A_299 = arith.constant 250 : i32
        %mul3A_300 = arith.muli %arg1, %mul3A_299 : i32
        %add3A_301 = arith.addi %mul3A_300, %add3A_287 : i32
        %dma_start3A_302 = arith.constant 0 : i32
        %dma_start3A_303 = arith.constant 0 : i32
        %dma_start3A_304 = tpu.memref_slice %arg3[%add3A_301, %dma_start3A_302, %dma_start3A_303] : memref<4000x1x80xi32, #tpu.memory_space<hbm>> -> memref<1x1x80xi32, #tpu.memory_space<hbm>>
        %dma_start3A_305 = tpu.memref_squeeze %dma_start3A_304 : memref<1x1x80xi32, #tpu.memory_space<hbm>> -> memref<1x80xi32, #tpu.memory_space<hbm>>
        %dma_start3A_306 = arith.constant 0 : i32
        %dma_start3A_307 = arith.constant 0 : i32
        %dma_start3A_308 = tpu.memref_slice %arg3[%add3A_301, %dma_start3A_306, %dma_start3A_307] : memref<4000x1x80xi32, #tpu.memory_space<hbm>> -> memref<1x1x80xi32, #tpu.memory_space<hbm>>
        %dma_start3A_309 = tpu.memref_squeeze %dma_start3A_308 : memref<1x1x80xi32, #tpu.memory_space<hbm>> -> memref<1x80xi32, #tpu.memory_space<hbm>>
        tpu.enqueue_dma source(%dma_start3A_309 : memref<1x80xi32, #tpu.memory_space<hbm>>) target(%arg10 : memref<1x80xi32, #tpu.memory_space<vmem>>) target_semaphore(%arg19 : memref<!tpu.dma_semaphore, #tpu.memory_space<semaphore_mem>>)
      } else {
      }
      %mul3A_226 = arith.constant 4 : i32
      %mul3A_227 = arith.muli %mul3A_226, %scan3A_166 : i32
      %add3A_228 = arith.constant 2 : i32
      %add3A_229 = arith.addi %mul3A_227, %add3A_228 : i32
      %dma_wait3A_230 = arith.constant 0 : i32
      %dma_wait3A_231 = arith.constant 0 : i32
      %dma_wait3A_232 = arith.constant 0 : i32
      %dma_wait3A_233 = tpu.memref_slice %arg2[%dma_wait3A_230, %dma_wait3A_231, %dma_wait3A_232] : memref<2x320000x128xf32, #tpu.memory_space<hbm>> -> memref<1x80x128xf32, #tpu.memory_space<hbm>>
      %dma_wait3A_234 = tpu.memref_squeeze %dma_wait3A_233 : memref<1x80x128xf32, #tpu.memory_space<hbm>> -> memref<80x128xf32, #tpu.memory_space<hbm>>
      %dma_wait3A_235 = arith.constant 0 : i32
      %dma_wait3A_236 = arith.constant 0 : i32
      %dma_wait3A_237 = tpu.memref_slice %arg2[%dma_wait3A_230, %dma_wait3A_235, %dma_wait3A_236] : memref<2x320000x128xf32, #tpu.memory_space<hbm>> -> memref<1x80x128xf32, #tpu.memory_space<hbm>>
      %dma_wait3A_238 = tpu.memref_squeeze %dma_wait3A_237 : memref<1x80x128xf32, #tpu.memory_space<hbm>> -> memref<80x128xf32, #tpu.memory_space<hbm>>
      tpu.wait_dma2 semaphore(%arg16 : memref<!tpu.dma_semaphore, #tpu.memory_space<semaphore_mem>>) src(%dma_wait3A_238 : memref<80x128xf32, #tpu.memory_space<hbm>>) dst(%arg7 : memref<80x128xf32, #tpu.memory_space<vmem>>)
      %dma_wait3A_239 = arith.constant 0 : i32
      %dma_wait3A_240 = arith.constant 0 : i32
      %dma_wait3A_241 = arith.constant 0 : i32
      %dma_wait3A_242 = tpu.memref_slice %arg3[%dma_wait3A_239, %dma_wait3A_240, %dma_wait3A_241] : memref<4000x1x80xi32, #tpu.memory_space<hbm>> -> memref<1x1x80xi32, #tpu.memory_space<hbm>>
      %dma_wait3A_243 = tpu.memref_squeeze %dma_wait3A_242 : memref<1x1x80xi32, #tpu.memory_space<hbm>> -> memref<1x80xi32, #tpu.memory_space<hbm>>
      %dma_wait3A_244 = arith.constant 0 : i32
      %dma_wait3A_245 = arith.constant 0 : i32
      %dma_wait3A_246 = tpu.memref_slice %arg3[%dma_wait3A_239, %dma_wait3A_244, %dma_wait3A_245] : memref<4000x1x80xi32, #tpu.memory_space<hbm>> -> memref<1x1x80xi32, #tpu.memory_space<hbm>>
      %dma_wait3A_247 = tpu.memref_squeeze %dma_wait3A_246 : memref<1x1x80xi32, #tpu.memory_space<hbm>> -> memref<1x80xi32, #tpu.memory_space<hbm>>
      tpu.wait_dma2 semaphore(%arg20 : memref<!tpu.dma_semaphore, #tpu.memory_space<semaphore_mem>>) src(%dma_wait3A_247 : memref<1x80xi32, #tpu.memory_space<hbm>>) dst(%arg11 : memref<1x80xi32, #tpu.memory_space<vmem>>)
      %run_scoped3A_248 = arith.constant 0 : i32
      "tpu.region"() ({
        %run_scoped3A_286 = tpu.sem_alloc : memref<!tpu.dma_semaphore, #tpu.memory_space<semaphore_mem>>
        %dma_start3A_287 = arith.constant 0 : i32
        %dma_start3A_288 = arith.constant 0 : i32
        %dma_start3A_289 = tpu.memref_slice %arg7[%dma_start3A_287, %dma_start3A_288] : memref<80x128xf32, #tpu.memory_space<vmem>> -> memref<80x128xf32, #tpu.memory_space<vmem>>
        %dma_start3A_290 = arith.constant 0 : i32
        %dma_start3A_291 = tpu.memref_slice %arg11[%run_scoped3A_248, %dma_start3A_290] : memref<1x80xi32, #tpu.memory_space<vmem>> -> memref<1x80xi32, #tpu.memory_space<vmem>>
        %dma_start3A_292 = tpu.memref_squeeze %dma_start3A_291 : memref<1x80xi32, #tpu.memory_space<vmem>> -> memref<80xi32, #tpu.memory_space<vmem>>
        %dma_start3A_293 = arith.constant 0 : i32
        %dma_start3A_294 = arith.constant 0 : i32
        %dma_start3A_295 = tpu.memref_slice %arg13[%dma_start3A_293, %dma_start3A_294] : memref<10000x128xf32, #tpu.memory_space<vmem_shared>> -> memref<10000x128xf32, #tpu.memory_space<vmem_shared>>
        tpu.enqueue_indirect_dma source(%dma_start3A_289 : memref<80x128xf32, #tpu.memory_space<vmem>>) target(%dma_start3A_295 : memref<10000x128xf32, #tpu.memory_space<vmem_shared>>) offsets(%dma_start3A_292 : memref<80xi32, #tpu.memory_space<vmem>>) semaphore(%run_scoped3A_286 : memref<!tpu.dma_semaphore, #tpu.memory_space<semaphore_mem>>) {add = true}
        %dma_wait3A_296 = arith.constant 0 : i32
        %dma_wait3A_297 = arith.constant 0 : i32
        %dma_wait3A_298 = tpu.memref_slice %arg7[%dma_wait3A_296, %dma_wait3A_297] : memref<80x128xf32, #tpu.memory_space<vmem>> -> memref<80x128xf32, #tpu.memory_space<vmem>>
        %dma_wait3A_299 = arith.constant 0 : i32
        %dma_wait3A_300 = tpu.memref_slice %arg11[%run_scoped3A_248, %dma_wait3A_299] : memref<1x80xi32, #tpu.memory_space<vmem>> -> memref<1x80xi32, #tpu.memory_space<vmem>>
        %dma_wait3A_301 = tpu.memref_squeeze %dma_wait3A_300 : memref<1x80xi32, #tpu.memory_space<vmem>> -> memref<80xi32, #tpu.memory_space<vmem>>
        %dma_wait3A_302 = arith.constant 0 : i32
        %dma_wait3A_303 = arith.constant 0 : i32
        %dma_wait3A_304 = tpu.memref_slice %arg13[%dma_wait3A_302, %dma_wait3A_303] : memref<10000x128xf32, #tpu.memory_space<vmem_shared>> -> memref<10000x128xf32, #tpu.memory_space<vmem_shared>>
        tpu.wait_indirect_dma semaphore(%run_scoped3A_286 : memref<!tpu.dma_semaphore, #tpu.memory_space<semaphore_mem>>) src(%dma_wait3A_298 : memref<80x128xf32, #tpu.memory_space<vmem>>) dst(%dma_wait3A_304 : memref<10000x128xf32, #tpu.memory_space<vmem_shared>>)
        tpu.yield
      }) : () -> ()
      %add3A_249 = arith.constant 4 : i32
      %add3A_250 = arith.addi %add3A_229, %add3A_249 : i32
      %lt3A_251 = arith.constant 250 : i32
      %lt3A_252 = arith.cmpi slt, %add3A_250, %lt3A_251 : i32
      %convert_element_type3A_253 = arith.extui %lt3A_252 : i1 to i32
      %cond3A_254 = arith.constant 0 : i32
      %cond3A_255 = arith.cmpi ne, %convert_element_type3A_253, %cond3A_254 : i32
      scf.if %cond3A_255 {
        %add3A_286 = arith.constant 4 : i32
        %add3A_287 = arith.addi %add3A_229, %add3A_286 : i32
        %mul3A_288 = arith.constant 20000 : i32
        %mul3A_289 = arith.muli %arg1, %mul3A_288 : i32
        %mul3A_290 = arith.constant 80 : i32
        %mul3A_291 = arith.muli %add3A_287, %mul3A_290 : i32
        %add3A_292 = arith.addi %mul3A_289, %mul3A_291 : i32
        %dma_start3A_293 = arith.constant 0 : i32
        %dma_start3A_294 = tpu.memref_slice %arg2[%arg0, %add3A_292, %dma_start3A_293] : memref<2x320000x128xf32, #tpu.memory_space<hbm>> -> memref<1x80x128xf32, #tpu.memory_space<hbm>>
        %dma_start3A_295 = tpu.memref_squeeze %dma_start3A_294 : memref<1x80x128xf32, #tpu.memory_space<hbm>> -> memref<80x128xf32, #tpu.memory_space<hbm>>
        %dma_start3A_296 = arith.constant 0 : i32
        %dma_start3A_297 = tpu.memref_slice %arg2[%arg0, %add3A_292, %dma_start3A_296] : memref<2x320000x128xf32, #tpu.memory_space<hbm>> -> memref<1x80x128xf32, #tpu.memory_space<hbm>>
        %dma_start3A_298 = tpu.memref_squeeze %dma_start3A_297 : memref<1x80x128xf32, #tpu.memory_space<hbm>> -> memref<80x128xf32, #tpu.memory_space<hbm>>
        tpu.enqueue_dma source(%dma_start3A_298 : memref<80x128xf32, #tpu.memory_space<hbm>>) target(%arg7 : memref<80x128xf32, #tpu.memory_space<vmem>>) target_semaphore(%arg16 : memref<!tpu.dma_semaphore, #tpu.memory_space<semaphore_mem>>)
        %mul3A_299 = arith.constant 250 : i32
        %mul3A_300 = arith.muli %arg1, %mul3A_299 : i32
        %add3A_301 = arith.addi %mul3A_300, %add3A_287 : i32
        %dma_start3A_302 = arith.constant 0 : i32
        %dma_start3A_303 = arith.constant 0 : i32
        %dma_start3A_304 = tpu.memref_slice %arg3[%add3A_301, %dma_start3A_302, %dma_start3A_303] : memref<4000x1x80xi32, #tpu.memory_space<hbm>> -> memref<1x1x80xi32, #tpu.memory_space<hbm>>
        %dma_start3A_305 = tpu.memref_squeeze %dma_start3A_304 : memref<1x1x80xi32, #tpu.memory_space<hbm>> -> memref<1x80xi32, #tpu.memory_space<hbm>>
        %dma_start3A_306 = arith.constant 0 : i32
        %dma_start3A_307 = arith.constant 0 : i32
        %dma_start3A_308 = tpu.memref_slice %arg3[%add3A_301, %dma_start3A_306, %dma_start3A_307] : memref<4000x1x80xi32, #tpu.memory_space<hbm>> -> memref<1x1x80xi32, #tpu.memory_space<hbm>>
        %dma_start3A_309 = tpu.memref_squeeze %dma_start3A_308 : memref<1x1x80xi32, #tpu.memory_space<hbm>> -> memref<1x80xi32, #tpu.memory_space<hbm>>
        tpu.enqueue_dma source(%dma_start3A_309 : memref<1x80xi32, #tpu.memory_space<hbm>>) target(%arg11 : memref<1x80xi32, #tpu.memory_space<vmem>>) target_semaphore(%arg20 : memref<!tpu.dma_semaphore, #tpu.memory_space<semaphore_mem>>)
      } else {
      }
      %mul3A_256 = arith.constant 4 : i32
      %mul3A_257 = arith.muli %mul3A_256, %scan3A_166 : i32
      %add3A_258 = arith.constant 3 : i32
      %add3A_259 = arith.addi %mul3A_257, %add3A_258 : i32
      %dma_wait3A_260 = arith.constant 0 : i32
      %dma_wait3A_261 = arith.constant 0 : i32
      %dma_wait3A_262 = arith.constant 0 : i32
      %dma_wait3A_263 = tpu.memref_slice %arg2[%dma_wait3A_260, %dma_wait3A_261, %dma_wait3A_262] : memref<2x320000x128xf32, #tpu.memory_space<hbm>> -> memref<1x80x128xf32, #tpu.memory_space<hbm>>
      %dma_wait3A_264 = tpu.memref_squeeze %dma_wait3A_263 : memref<1x80x128xf32, #tpu.memory_space<hbm>> -> memref<80x128xf32, #tpu.memory_space<hbm>>
      %dma_wait3A_265 = arith.constant 0 : i32
      %dma_wait3A_266 = arith.constant 0 : i32
      %dma_wait3A_267 = tpu.memref_slice %arg2[%dma_wait3A_260, %dma_wait3A_265, %dma_wait3A_266] : memref<2x320000x128xf32, #tpu.memory_space<hbm>> -> memref<1x80x128xf32, #tpu.memory_space<hbm>>
      %dma_wait3A_268 = tpu.memref_squeeze %dma_wait3A_267 : memref<1x80x128xf32, #tpu.memory_space<hbm>> -> memref<80x128xf32, #tpu.memory_space<hbm>>
      tpu.wait_dma2 semaphore(%arg17 : memref<!tpu.dma_semaphore, #tpu.memory_space<semaphore_mem>>) src(%dma_wait3A_268 : memref<80x128xf32, #tpu.memory_space<hbm>>) dst(%arg8 : memref<80x128xf32, #tpu.memory_space<vmem>>)
      %dma_wait3A_269 = arith.constant 0 : i32
      %dma_wait3A_270 = arith.constant 0 : i32
      %dma_wait3A_271 = arith.constant 0 : i32
      %dma_wait3A_272 = tpu.memref_slice %arg3[%dma_wait3A_269, %dma_wait3A_270, %dma_wait3A_271] : memref<4000x1x80xi32, #tpu.memory_space<hbm>> -> memref<1x1x80xi32, #tpu.memory_space<hbm>>
      %dma_wait3A_273 = tpu.memref_squeeze %dma_wait3A_272 : memref<1x1x80xi32, #tpu.memory_space<hbm>> -> memref<1x80xi32, #tpu.memory_space<hbm>>
      %dma_wait3A_274 = arith.constant 0 : i32
      %dma_wait3A_275 = arith.constant 0 : i32
      %dma_wait3A_276 = tpu.memref_slice %arg3[%dma_wait3A_269, %dma_wait3A_274, %dma_wait3A_275] : memref<4000x1x80xi32, #tpu.memory_space<hbm>> -> memref<1x1x80xi32, #tpu.memory_space<hbm>>
      %dma_wait3A_277 = tpu.memref_squeeze %dma_wait3A_276 : memref<1x1x80xi32, #tpu.memory_space<hbm>> -> memref<1x80xi32, #tpu.memory_space<hbm>>
      tpu.wait_dma2 semaphore(%arg21 : memref<!tpu.dma_semaphore, #tpu.memory_space<semaphore_mem>>) src(%dma_wait3A_277 : memref<1x80xi32, #tpu.memory_space<hbm>>) dst(%arg12 : memref<1x80xi32, #tpu.memory_space<vmem>>)
      %run_scoped3A_278 = arith.constant 0 : i32
      "tpu.region"() ({
        %run_scoped3A_286 = tpu.sem_alloc : memref<!tpu.dma_semaphore, #tpu.memory_space<semaphore_mem>>
        %dma_start3A_287 = arith.constant 0 : i32
        %dma_start3A_288 = arith.constant 0 : i32
        %dma_start3A_289 = tpu.memref_slice %arg8[%dma_start3A_287, %dma_start3A_288] : memref<80x128xf32, #tpu.memory_space<vmem>> -> memref<80x128xf32, #tpu.memory_space<vmem>>
        %dma_start3A_290 = arith.constant 0 : i32
        %dma_start3A_291 = tpu.memref_slice %arg12[%run_scoped3A_278, %dma_start3A_290] : memref<1x80xi32, #tpu.memory_space<vmem>> -> memref<1x80xi32, #tpu.memory_space<vmem>>
        %dma_start3A_292 = tpu.memref_squeeze %dma_start3A_291 : memref<1x80xi32, #tpu.memory_space<vmem>> -> memref<80xi32, #tpu.memory_space<vmem>>
        %dma_start3A_293 = arith.constant 0 : i32
        %dma_start3A_294 = arith.constant 0 : i32
        %dma_start3A_295 = tpu.memref_slice %arg13[%dma_start3A_293, %dma_start3A_294] : memref<10000x128xf32, #tpu.memory_space<vmem_shared>> -> memref<10000x128xf32, #tpu.memory_space<vmem_shared>>
        tpu.enqueue_indirect_dma source(%dma_start3A_289 : memref<80x128xf32, #tpu.memory_space<vmem>>) target(%dma_start3A_295 : memref<10000x128xf32, #tpu.memory_space<vmem_shared>>) offsets(%dma_start3A_292 : memref<80xi32, #tpu.memory_space<vmem>>) semaphore(%run_scoped3A_286 : memref<!tpu.dma_semaphore, #tpu.memory_space<semaphore_mem>>) {add = true}
        %dma_wait3A_296 = arith.constant 0 : i32
        %dma_wait3A_297 = arith.constant 0 : i32
        %dma_wait3A_298 = tpu.memref_slice %arg8[%dma_wait3A_296, %dma_wait3A_297] : memref<80x128xf32, #tpu.memory_space<vmem>> -> memref<80x128xf32, #tpu.memory_space<vmem>>
        %dma_wait3A_299 = arith.constant 0 : i32
        %dma_wait3A_300 = tpu.memref_slice %arg12[%run_scoped3A_278, %dma_wait3A_299] : memref<1x80xi32, #tpu.memory_space<vmem>> -> memref<1x80xi32, #tpu.memory_space<vmem>>
        %dma_wait3A_301 = tpu.memref_squeeze %dma_wait3A_300 : memref<1x80xi32, #tpu.memory_space<vmem>> -> memref<80xi32, #tpu.memory_space<vmem>>
        %dma_wait3A_302 = arith.constant 0 : i32
        %dma_wait3A_303 = arith.constant 0 : i32
        %dma_wait3A_304 = tpu.memref_slice %arg13[%dma_wait3A_302, %dma_wait3A_303] : memref<10000x128xf32, #tpu.memory_space<vmem_shared>> -> memref<10000x128xf32, #tpu.memory_space<vmem_shared>>
        tpu.wait_indirect_dma semaphore(%run_scoped3A_286 : memref<!tpu.dma_semaphore, #tpu.memory_space<semaphore_mem>>) src(%dma_wait3A_298 : memref<80x128xf32, #tpu.memory_space<vmem>>) dst(%dma_wait3A_304 : memref<10000x128xf32, #tpu.memory_space<vmem_shared>>)
        tpu.yield
      }) : () -> ()
      %add3A_279 = arith.constant 4 : i32
      %add3A_280 = arith.addi %add3A_259, %add3A_279 : i32
      %lt3A_281 = arith.constant 250 : i32
      %lt3A_282 = arith.cmpi slt, %add3A_280, %lt3A_281 : i32
      %convert_element_type3A_283 = arith.extui %lt3A_282 : i1 to i32
      %cond3A_284 = arith.constant 0 : i32
      %cond3A_285 = arith.cmpi ne, %convert_element_type3A_283, %cond3A_284 : i32
      scf.if %cond3A_285 {
        %add3A_286 = arith.constant 4 : i32
        %add3A_287 = arith.addi %add3A_259, %add3A_286 : i32
        %mul3A_288 = arith.constant 20000 : i32
        %mul3A_289 = arith.muli %arg1, %mul3A_288 : i32
        %mul3A_290 = arith.constant 80 : i32
        %mul3A_291 = arith.muli %add3A_287, %mul3A_290 : i32
        %add3A_292 = arith.addi %mul3A_289, %mul3A_291 : i32
        %dma_start3A_293 = arith.constant 0 : i32
        %dma_start3A_294 = tpu.memref_slice %arg2[%arg0, %add3A_292, %dma_start3A_293] : memref<2x320000x128xf32, #tpu.memory_space<hbm>> -> memref<1x80x128xf32, #tpu.memory_space<hbm>>
        %dma_start3A_295 = tpu.memref_squeeze %dma_start3A_294 : memref<1x80x128xf32, #tpu.memory_space<hbm>> -> memref<80x128xf32, #tpu.memory_space<hbm>>
        %dma_start3A_296 = arith.constant 0 : i32
        %dma_start3A_297 = tpu.memref_slice %arg2[%arg0, %add3A_292, %dma_start3A_296] : memref<2x320000x128xf32, #tpu.memory_space<hbm>> -> memref<1x80x128xf32, #tpu.memory_space<hbm>>
        %dma_start3A_298 = tpu.memref_squeeze %dma_start3A_297 : memref<1x80x128xf32, #tpu.memory_space<hbm>> -> memref<80x128xf32, #tpu.memory_space<hbm>>
        tpu.enqueue_dma source(%dma_start3A_298 : memref<80x128xf32, #tpu.memory_space<hbm>>) target(%arg8 : memref<80x128xf32, #tpu.memory_space<vmem>>) target_semaphore(%arg17 : memref<!tpu.dma_semaphore, #tpu.memory_space<semaphore_mem>>)
        %mul3A_299 = arith.constant 250 : i32
        %mul3A_300 = arith.muli %arg1, %mul3A_299 : i32
        %add3A_301 = arith.addi %mul3A_300, %add3A_287 : i32
        %dma_start3A_302 = arith.constant 0 : i32
        %dma_start3A_303 = arith.constant 0 : i32
        %dma_start3A_304 = tpu.memref_slice %arg3[%add3A_301, %dma_start3A_302, %dma_start3A_303] : memref<4000x1x80xi32, #tpu.memory_space<hbm>> -> memref<1x1x80xi32, #tpu.memory_space<hbm>>
        %dma_start3A_305 = tpu.memref_squeeze %dma_start3A_304 : memref<1x1x80xi32, #tpu.memory_space<hbm>> -> memref<1x80xi32, #tpu.memory_space<hbm>>
        %dma_start3A_306 = arith.constant 0 : i32
        %dma_start3A_307 = arith.constant 0 : i32
        %dma_start3A_308 = tpu.memref_slice %arg3[%add3A_301, %dma_start3A_306, %dma_start3A_307] : memref<4000x1x80xi32, #tpu.memory_space<hbm>> -> memref<1x1x80xi32, #tpu.memory_space<hbm>>
        %dma_start3A_309 = tpu.memref_squeeze %dma_start3A_308 : memref<1x1x80xi32, #tpu.memory_space<hbm>> -> memref<1x80xi32, #tpu.memory_space<hbm>>
        tpu.enqueue_dma source(%dma_start3A_309 : memref<1x80xi32, #tpu.memory_space<hbm>>) target(%arg12 : memref<1x80xi32, #tpu.memory_space<vmem>>) target_semaphore(%arg21 : memref<!tpu.dma_semaphore, #tpu.memory_space<semaphore_mem>>)
      } else {
      }
    }
    %scan3A_118 = arith.constant 62 : i32
    %dma_wait3A = arith.constant 0 : i32
    %dma_wait3A_119 = arith.constant 0 : i32
    %dma_wait3A_120 = arith.constant 0 : i32
    %dma_wait3A_121 = tpu.memref_slice %arg2[%dma_wait3A, %dma_wait3A_119, %dma_wait3A_120] : memref<2x320000x128xf32, #tpu.memory_space<hbm>> -> memref<1x80x128xf32, #tpu.memory_space<hbm>>
    %dma_wait3A_122 = tpu.memref_squeeze %dma_wait3A_121 : memref<1x80x128xf32, #tpu.memory_space<hbm>> -> memref<80x128xf32, #tpu.memory_space<hbm>>
    %dma_wait3A_123 = arith.constant 0 : i32
    %dma_wait3A_124 = arith.constant 0 : i32
    %dma_wait3A_125 = tpu.memref_slice %arg2[%dma_wait3A, %dma_wait3A_123, %dma_wait3A_124] : memref<2x320000x128xf32, #tpu.memory_space<hbm>> -> memref<1x80x128xf32, #tpu.memory_space<hbm>>
    %dma_wait3A_126 = tpu.memref_squeeze %dma_wait3A_125 : memref<1x80x128xf32, #tpu.memory_space<hbm>> -> memref<80x128xf32, #tpu.memory_space<hbm>>
    tpu.wait_dma2 semaphore(%arg14 : memref<!tpu.dma_semaphore, #tpu.memory_space<semaphore_mem>>) src(%dma_wait3A_126 : memref<80x128xf32, #tpu.memory_space<hbm>>) dst(%arg5 : memref<80x128xf32, #tpu.memory_space<vmem>>)
    %dma_wait3A_127 = arith.constant 0 : i32
    %dma_wait3A_128 = arith.constant 0 : i32
    %dma_wait3A_129 = arith.constant 0 : i32
    %dma_wait3A_130 = tpu.memref_slice %arg3[%dma_wait3A_127, %dma_wait3A_128, %dma_wait3A_129] : memref<4000x1x80xi32, #tpu.memory_space<hbm>> -> memref<1x1x80xi32, #tpu.memory_space<hbm>>
    %dma_wait3A_131 = tpu.memref_squeeze %dma_wait3A_130 : memref<1x1x80xi32, #tpu.memory_space<hbm>> -> memref<1x80xi32, #tpu.memory_space<hbm>>
    %dma_wait3A_132 = arith.constant 0 : i32
    %dma_wait3A_133 = arith.constant 0 : i32
    %dma_wait3A_134 = tpu.memref_slice %arg3[%dma_wait3A_127, %dma_wait3A_132, %dma_wait3A_133] : memref<4000x1x80xi32, #tpu.memory_space<hbm>> -> memref<1x1x80xi32, #tpu.memory_space<hbm>>
    %dma_wait3A_135 = tpu.memref_squeeze %dma_wait3A_134 : memref<1x1x80xi32, #tpu.memory_space<hbm>> -> memref<1x80xi32, #tpu.memory_space<hbm>>
    tpu.wait_dma2 semaphore(%arg18 : memref<!tpu.dma_semaphore, #tpu.memory_space<semaphore_mem>>) src(%dma_wait3A_135 : memref<1x80xi32, #tpu.memory_space<hbm>>) dst(%arg9 : memref<1x80xi32, #tpu.memory_space<vmem>>)
    %run_scoped3A = arith.constant 0 : i32
    "tpu.region"() ({
      %run_scoped3A_166 = tpu.sem_alloc : memref<!tpu.dma_semaphore, #tpu.memory_space<semaphore_mem>>
      %dma_start3A_167 = arith.constant 0 : i32
      %dma_start3A_168 = arith.constant 0 : i32
      %dma_start3A_169 = tpu.memref_slice %arg5[%dma_start3A_167, %dma_start3A_168] : memref<80x128xf32, #tpu.memory_space<vmem>> -> memref<80x128xf32, #tpu.memory_space<vmem>>
      %dma_start3A_170 = arith.constant 0 : i32
      %dma_start3A_171 = tpu.memref_slice %arg9[%run_scoped3A, %dma_start3A_170] : memref<1x80xi32, #tpu.memory_space<vmem>> -> memref<1x80xi32, #tpu.memory_space<vmem>>
      %dma_start3A_172 = tpu.memref_squeeze %dma_start3A_171 : memref<1x80xi32, #tpu.memory_space<vmem>> -> memref<80xi32, #tpu.memory_space<vmem>>
      %dma_start3A_173 = arith.constant 0 : i32
      %dma_start3A_174 = arith.constant 0 : i32
      %dma_start3A_175 = tpu.memref_slice %arg13[%dma_start3A_173, %dma_start3A_174] : memref<10000x128xf32, #tpu.memory_space<vmem_shared>> -> memref<10000x128xf32, #tpu.memory_space<vmem_shared>>
      tpu.enqueue_indirect_dma source(%dma_start3A_169 : memref<80x128xf32, #tpu.memory_space<vmem>>) target(%dma_start3A_175 : memref<10000x128xf32, #tpu.memory_space<vmem_shared>>) offsets(%dma_start3A_172 : memref<80xi32, #tpu.memory_space<vmem>>) semaphore(%run_scoped3A_166 : memref<!tpu.dma_semaphore, #tpu.memory_space<semaphore_mem>>) {add = true}
      %dma_wait3A_176 = arith.constant 0 : i32
      %dma_wait3A_177 = arith.constant 0 : i32
      %dma_wait3A_178 = tpu.memref_slice %arg5[%dma_wait3A_176, %dma_wait3A_177] : memref<80x128xf32, #tpu.memory_space<vmem>> -> memref<80x128xf32, #tpu.memory_space<vmem>>
      %dma_wait3A_179 = arith.constant 0 : i32
      %dma_wait3A_180 = tpu.memref_slice %arg9[%run_scoped3A, %dma_wait3A_179] : memref<1x80xi32, #tpu.memory_space<vmem>> -> memref<1x80xi32, #tpu.memory_space<vmem>>
      %dma_wait3A_181 = tpu.memref_squeeze %dma_wait3A_180 : memref<1x80xi32, #tpu.memory_space<vmem>> -> memref<80xi32, #tpu.memory_space<vmem>>
      %dma_wait3A_182 = arith.constant 0 : i32
      %dma_wait3A_183 = arith.constant 0 : i32
      %dma_wait3A_184 = tpu.memref_slice %arg13[%dma_wait3A_182, %dma_wait3A_183] : memref<10000x128xf32, #tpu.memory_space<vmem_shared>> -> memref<10000x128xf32, #tpu.memory_space<vmem_shared>>
      tpu.wait_indirect_dma semaphore(%run_scoped3A_166 : memref<!tpu.dma_semaphore, #tpu.memory_space<semaphore_mem>>) src(%dma_wait3A_178 : memref<80x128xf32, #tpu.memory_space<vmem>>) dst(%dma_wait3A_184 : memref<10000x128xf32, #tpu.memory_space<vmem_shared>>)
      tpu.yield
    }) : () -> ()
    %dma_wait3A_136 = arith.constant 0 : i32
    %dma_wait3A_137 = arith.constant 0 : i32
    %dma_wait3A_138 = arith.constant 0 : i32
    %dma_wait3A_139 = tpu.memref_slice %arg2[%dma_wait3A_136, %dma_wait3A_137, %dma_wait3A_138] : memref<2x320000x128xf32, #tpu.memory_space<hbm>> -> memref<1x80x128xf32, #tpu.memory_space<hbm>>
    %dma_wait3A_140 = tpu.memref_squeeze %dma_wait3A_139 : memref<1x80x128xf32, #tpu.memory_space<hbm>> -> memref<80x128xf32, #tpu.memory_space<hbm>>
    %dma_wait3A_141 = arith.constant 0 : i32
    %dma_wait3A_142 = arith.constant 0 : i32
    %dma_wait3A_143 = tpu.memref_slice %arg2[%dma_wait3A_136, %dma_wait3A_141, %dma_wait3A_142] : memref<2x320000x128xf32, #tpu.memory_space<hbm>> -> memref<1x80x128xf32, #tpu.memory_space<hbm>>
    %dma_wait3A_144 = tpu.memref_squeeze %dma_wait3A_143 : memref<1x80x128xf32, #tpu.memory_space<hbm>> -> memref<80x128xf32, #tpu.memory_space<hbm>>
    tpu.wait_dma2 semaphore(%arg15 : memref<!tpu.dma_semaphore, #tpu.memory_space<semaphore_mem>>) src(%dma_wait3A_144 : memref<80x128xf32, #tpu.memory_space<hbm>>) dst(%arg6 : memref<80x128xf32, #tpu.memory_space<vmem>>)
    %dma_wait3A_145 = arith.constant 0 : i32
    %dma_wait3A_146 = arith.constant 0 : i32
    %dma_wait3A_147 = arith.constant 0 : i32
    %dma_wait3A_148 = tpu.memref_slice %arg3[%dma_wait3A_145, %dma_wait3A_146, %dma_wait3A_147] : memref<4000x1x80xi32, #tpu.memory_space<hbm>> -> memref<1x1x80xi32, #tpu.memory_space<hbm>>
    %dma_wait3A_149 = tpu.memref_squeeze %dma_wait3A_148 : memref<1x1x80xi32, #tpu.memory_space<hbm>> -> memref<1x80xi32, #tpu.memory_space<hbm>>
    %dma_wait3A_150 = arith.constant 0 : i32
    %dma_wait3A_151 = arith.constant 0 : i32
    %dma_wait3A_152 = tpu.memref_slice %arg3[%dma_wait3A_145, %dma_wait3A_150, %dma_wait3A_151] : memref<4000x1x80xi32, #tpu.memory_space<hbm>> -> memref<1x1x80xi32, #tpu.memory_space<hbm>>
    %dma_wait3A_153 = tpu.memref_squeeze %dma_wait3A_152 : memref<1x1x80xi32, #tpu.memory_space<hbm>> -> memref<1x80xi32, #tpu.memory_space<hbm>>
    tpu.wait_dma2 semaphore(%arg19 : memref<!tpu.dma_semaphore, #tpu.memory_space<semaphore_mem>>) src(%dma_wait3A_153 : memref<1x80xi32, #tpu.memory_space<hbm>>) dst(%arg10 : memref<1x80xi32, #tpu.memory_space<vmem>>)
    %run_scoped3A_154 = arith.constant 0 : i32
    "tpu.region"() ({
      %run_scoped3A_166 = tpu.sem_alloc : memref<!tpu.dma_semaphore, #tpu.memory_space<semaphore_mem>>
      %dma_start3A_167 = arith.constant 0 : i32
      %dma_start3A_168 = arith.constant 0 : i32
      %dma_start3A_169 = tpu.memref_slice %arg6[%dma_start3A_167, %dma_start3A_168] : memref<80x128xf32, #tpu.memory_space<vmem>> -> memref<80x128xf32, #tpu.memory_space<vmem>>
      %dma_start3A_170 = arith.constant 0 : i32
      %dma_start3A_171 = tpu.memref_slice %arg10[%run_scoped3A_154, %dma_start3A_170] : memref<1x80xi32, #tpu.memory_space<vmem>> -> memref<1x80xi32, #tpu.memory_space<vmem>>
      %dma_start3A_172 = tpu.memref_squeeze %dma_start3A_171 : memref<1x80xi32, #tpu.memory_space<vmem>> -> memref<80xi32, #tpu.memory_space<vmem>>
      %dma_start3A_173 = arith.constant 0 : i32
      %dma_start3A_174 = arith.constant 0 : i32
      %dma_start3A_175 = tpu.memref_slice %arg13[%dma_start3A_173, %dma_start3A_174] : memref<10000x128xf32, #tpu.memory_space<vmem_shared>> -> memref<10000x128xf32, #tpu.memory_space<vmem_shared>>
      tpu.enqueue_indirect_dma source(%dma_start3A_169 : memref<80x128xf32, #tpu.memory_space<vmem>>) target(%dma_start3A_175 : memref<10000x128xf32, #tpu.memory_space<vmem_shared>>) offsets(%dma_start3A_172 : memref<80xi32, #tpu.memory_space<vmem>>) semaphore(%run_scoped3A_166 : memref<!tpu.dma_semaphore, #tpu.memory_space<semaphore_mem>>) {add = true}
      %dma_wait3A_176 = arith.constant 0 : i32
      %dma_wait3A_177 = arith.constant 0 : i32
      %dma_wait3A_178 = tpu.memref_slice %arg6[%dma_wait3A_176, %dma_wait3A_177] : memref<80x128xf32, #tpu.memory_space<vmem>> -> memref<80x128xf32, #tpu.memory_space<vmem>>
      %dma_wait3A_179 = arith.constant 0 : i32
      %dma_wait3A_180 = tpu.memref_slice %arg10[%run_scoped3A_154, %dma_wait3A_179] : memref<1x80xi32, #tpu.memory_space<vmem>> -> memref<1x80xi32, #tpu.memory_space<vmem>>
      %dma_wait3A_181 = tpu.memref_squeeze %dma_wait3A_180 : memref<1x80xi32, #tpu.memory_space<vmem>> -> memref<80xi32, #tpu.memory_space<vmem>>
      %dma_wait3A_182 = arith.constant 0 : i32
      %dma_wait3A_183 = arith.constant 0 : i32
      %dma_wait3A_184 = tpu.memref_slice %arg13[%dma_wait3A_182, %dma_wait3A_183] : memref<10000x128xf32, #tpu.memory_space<vmem_shared>> -> memref<10000x128xf32, #tpu.memory_space<vmem_shared>>
      tpu.wait_indirect_dma semaphore(%run_scoped3A_166 : memref<!tpu.dma_semaphore, #tpu.memory_space<semaphore_mem>>) src(%dma_wait3A_178 : memref<80x128xf32, #tpu.memory_space<vmem>>) dst(%dma_wait3A_184 : memref<10000x128xf32, #tpu.memory_space<vmem_shared>>)
      tpu.yield
    }) : () -> ()
    %barrier3A_155 = arith.constant 0 : index
    tpu.barrier barrier_id(%barrier3A_155)
    %eq3A_156 = arith.constant 15 : i32
    %eq3A_157 = arith.cmpi eq, %arg1, %eq3A_156 : i32
    %convert_element_type3A_158 = arith.extui %eq3A_157 : i1 to i32
    %cond3A_159 = arith.constant 0 : i32
    %cond3A_160 = arith.cmpi ne, %convert_element_type3A_158, %cond3A_159 : i32
    scf.if %cond3A_160 {
      "tpu.region"() ({
        %run_scoped3A_166 = tpu.sem_alloc : memref<!tpu.dma_semaphore, #tpu.memory_space<semaphore_mem>>
        %dma_start3A_167 = arith.constant 0 : i32
        %dma_start3A_168 = tpu.memref_slice %arg4[%arg0, %mul3A_6, %dma_start3A_167] : memref<2x10000x128xf32, #tpu.memory_space<hbm>> -> memref<1x640x128xf32, #tpu.memory_space<hbm>>
        %dma_start3A_169 = tpu.memref_squeeze %dma_start3A_168 : memref<1x640x128xf32, #tpu.memory_space<hbm>> -> memref<640x128xf32, #tpu.memory_space<hbm>>
        %dma_start3A_170 = arith.constant 0 : i32
        %dma_start3A_171 = tpu.memref_slice %arg13[%mul3A_6, %dma_start3A_170] : memref<10000x128xf32, #tpu.memory_space<vmem_shared>> -> memref<640x128xf32, #tpu.memory_space<vmem_shared>>
        tpu.enqueue_dma source(%dma_start3A_171 : memref<640x128xf32, #tpu.memory_space<vmem_shared>>) target(%dma_start3A_169 : memref<640x128xf32, #tpu.memory_space<hbm>>) target_semaphore(%run_scoped3A_166 : memref<!tpu.dma_semaphore, #tpu.memory_space<semaphore_mem>>)
        %dma_wait3A_172 = arith.constant 0 : i32
        %dma_wait3A_173 = tpu.memref_slice %arg4[%arg0, %mul3A_6, %dma_wait3A_172] : memref<2x10000x128xf32, #tpu.memory_space<hbm>> -> memref<1x640x128xf32, #tpu.memory_space<hbm>>
        %dma_wait3A_174 = tpu.memref_squeeze %dma_wait3A_173 : memref<1x640x128xf32, #tpu.memory_space<hbm>> -> memref<640x128xf32, #tpu.memory_space<hbm>>
        %dma_wait3A_175 = arith.constant 0 : i32
        %dma_wait3A_176 = tpu.memref_slice %arg13[%mul3A_6, %dma_wait3A_175] : memref<10000x128xf32, #tpu.memory_space<vmem_shared>> -> memref<640x128xf32, #tpu.memory_space<vmem_shared>>
        tpu.wait_dma2 semaphore(%run_scoped3A_166 : memref<!tpu.dma_semaphore, #tpu.memory_space<semaphore_mem>>) src(%dma_wait3A_176 : memref<640x128xf32, #tpu.memory_space<vmem_shared>>) dst(%dma_wait3A_174 : memref<640x128xf32, #tpu.memory_space<hbm>>)
        tpu.yield
      }) : () -> ()
    } else {
    }
    %ne3A_161 = arith.constant 15 : i32
    %ne3A_162 = arith.cmpi ne, %arg1, %ne3A_161 : i32
    %convert_element_type3A_163 = arith.extui %ne3A_162 : i1 to i32
    %cond3A_164 = arith.constant 0 : i32
    %cond3A_165 = arith.cmpi ne, %convert_element_type3A_163, %cond3A_164 : i32
    scf.if %cond3A_165 {
      "tpu.region"() ({
        %run_scoped3A_166 = tpu.sem_alloc : memref<!tpu.dma_semaphore, #tpu.memory_space<semaphore_mem>>
        %dma_start3A_167 = arith.constant 0 : i32
        %dma_start3A_168 = tpu.memref_slice %arg4[%arg0, %mul3A_6, %dma_start3A_167] : memref<2x10000x128xf32, #tpu.memory_space<hbm>> -> memref<1x624x128xf32, #tpu.memory_space<hbm>>
        %dma_start3A_169 = tpu.memref_squeeze %dma_start3A_168 : memref<1x624x128xf32, #tpu.memory_space<hbm>> -> memref<624x128xf32, #tpu.memory_space<hbm>>
        %dma_start3A_170 = arith.constant 0 : i32
        %dma_start3A_171 = tpu.memref_slice %arg13[%mul3A_6, %dma_start3A_170] : memref<10000x128xf32, #tpu.memory_space<vmem_shared>> -> memref<624x128xf32, #tpu.memory_space<vmem_shared>>
        tpu.enqueue_dma source(%dma_start3A_171 : memref<624x128xf32, #tpu.memory_space<vmem_shared>>) target(%dma_start3A_169 : memref<624x128xf32, #tpu.memory_space<hbm>>) target_semaphore(%run_scoped3A_166 : memref<!tpu.dma_semaphore, #tpu.memory_space<semaphore_mem>>)
        %dma_wait3A_172 = arith.constant 0 : i32
        %dma_wait3A_173 = tpu.memref_slice %arg4[%arg0, %mul3A_6, %dma_wait3A_172] : memref<2x10000x128xf32, #tpu.memory_space<hbm>> -> memref<1x624x128xf32, #tpu.memory_space<hbm>>
        %dma_wait3A_174 = tpu.memref_squeeze %dma_wait3A_173 : memref<1x624x128xf32, #tpu.memory_space<hbm>> -> memref<624x128xf32, #tpu.memory_space<hbm>>
        %dma_wait3A_175 = arith.constant 0 : i32
        %dma_wait3A_176 = tpu.memref_slice %arg13[%mul3A_6, %dma_wait3A_175] : memref<10000x128xf32, #tpu.memory_space<vmem_shared>> -> memref<624x128xf32, #tpu.memory_space<vmem_shared>>
        tpu.wait_dma2 semaphore(%run_scoped3A_166 : memref<!tpu.dma_semaphore, #tpu.memory_space<semaphore_mem>>) src(%dma_wait3A_176 : memref<624x128xf32, #tpu.memory_space<vmem_shared>>) dst(%dma_wait3A_174 : memref<624x128xf32, #tpu.memory_space<hbm>>)
        tpu.yield
      }) : () -> ()
    } else {
    }
    return
  }
}

module attributes {stable_mosaic.version = 14 : i64} {
  func.func @_k0_body(%arg0: memref<2500x128xf32, #tpu.memory_space<vmem>>, %arg1: memref<2500x128xf32, #tpu.memory_space<vmem>>) attributes {dimension_semantics = [], scalar_prefetch = 0 : i64, scratch_operands = 0 : i64, tpu.core_type = #tpu.core_type<tc>} {
    %get3A = arith.constant 0 : index
    %get3A_0 = arith.constant 0 : index
    %get3A_1 = vector.load %arg0[%get3A, %get3A_0] : memref<2500x128xf32, #tpu.memory_space<vmem>>, vector<2500x128xf32>
    %mul3A = arith.constant 3.14159274 : f32
    %mul3A_2 = vector.broadcast %mul3A : f32 to vector<2500x128xf32>
    %mul3A_3 = arith.mulf %mul3A_2, %get3A_1 : vector<2500x128xf32>
    %div3A = arith.constant 5.000000e+00 : f32
    %div3A_4 = vector.broadcast %div3A : f32 to vector<2500x128xf32>
    %div3A_5 = arith.divf %mul3A_3, %div3A_4 : vector<2500x128xf32>
    %cos3A = math.cos %div3A_5 : vector<2500x128xf32>
    %add3A = arith.constant 1.000000e+00 : f32
    %add3A_6 = vector.broadcast %add3A : f32 to vector<2500x128xf32>
    %add3A_7 = arith.addf %cos3A, %add3A_6 : vector<2500x128xf32>
    %mul3A_8 = arith.constant 5.000000e-01 : f32
    %mul3A_9 = vector.broadcast %mul3A_8 : f32 to vector<2500x128xf32>
    %mul3A_10 = arith.mulf %mul3A_9, %add3A_7 : vector<2500x128xf32>
    %lt3A = arith.constant 5.000000e+00 : f32
    %lt3A_11 = vector.broadcast %lt3A : f32 to vector<2500x128xf32>
    %lt3A_12 = arith.cmpf olt, %get3A_1, %lt3A_11 : vector<2500x128xf32>
    %jit3A = arith.constant 0.000000e+00 : f32
    %broadcast_in_dim3A = vector.broadcast %jit3A : f32 to vector<2500x128xf32>
    %select_n3A = arith.select %lt3A_12, %mul3A_10, %broadcast_in_dim3A : vector<2500x128xi1>, vector<2500x128xf32>
    %gt3A = arith.constant 0.000000e+00 : f32
    %gt3A_13 = vector.broadcast %gt3A : f32 to vector<2500x128xf32>
    %gt3A_14 = arith.cmpf ogt, %select_n3A, %gt3A_13 : vector<2500x128xf32>
    %log3A = math.log %select_n3A : vector<2500x128xf32>
    %mul3A_15 = arith.constant 2.885390e+00 : f32
    %mul3A_16 = vector.broadcast %mul3A_15 : f32 to vector<2500x128xf32>
    %mul3A_17 = arith.mulf %mul3A_16, %log3A : vector<2500x128xf32>
    %jit3A_18 = arith.constant -1.000000e+30 : f32
    %broadcast_in_dim3A_19 = vector.broadcast %jit3A_18 : f32 to vector<2500x128xf32>
    %select_n3A_20 = arith.select %gt3A_14, %mul3A_17, %broadcast_in_dim3A_19 : vector<2500x128xi1>, vector<2500x128xf32>
    %swap3A = arith.constant 0 : index
    %swap3A_21 = arith.constant 0 : index
    %swap3A_22 = vector.load %arg1[%swap3A, %swap3A_21] : memref<2500x128xf32, #tpu.memory_space<vmem>>, vector<2500x128xf32>
    tpu.vector_store %arg1[%swap3A, %swap3A_21], %select_n3A_20 {strides = array<i32>} : memref<2500x128xf32, #tpu.memory_space<vmem>>, vector<2500x128xf32>,
    return
  }
}

module attributes {stable_mosaic.version = 14 : i64} {
  func.func @_k1_body(%arg0: i32, %arg1: memref<4000x1xf32, #tpu.memory_space<vmem>>, %arg2: memref<4000x1xf32, #tpu.memory_space<vmem>>, %arg3: memref<4000x128xf32, #tpu.memory_space<vmem>>, %arg4: memref<1x128xf32, #tpu.memory_space<vmem>>, %arg5: memref<2x4000x128xf32, #tpu.memory_space<vmem>>) attributes {dimension_semantics = [#tpu.dimension_semantics<arbitrary>], iteration_bounds = array<i64: 80>, scalar_prefetch = 0 : i64, scratch_operands = 0 : i64, tpu.core_type = #tpu.core_type<tc>, window_params = [{transform_indices = @transform_0, window_bounds = array<i64: 4000, 1>}, {transform_indices = @transform_1, window_bounds = array<i64: 4000, 1>}, {transform_indices = @transform_2, window_bounds = array<i64: 4000, 128>}, {pipeline_mode = #tpu.pipeline_mode<synchronous>, transform_indices = @transform_3, window_bounds = array<i64: 1, 128>}, {transform_indices = @transform_4, window_bounds = array<i64: 2, 4000, 128>}]} {
    %get3A = arith.constant 0 : index
    %get3A_0 = arith.constant 0 : index
    %get3A_1 = vector.load %arg1[%get3A, %get3A_0] : memref<4000x1xf32, #tpu.memory_space<vmem>>, vector<4000x1xf32>
    %get3A_2 = arith.constant 0 : index
    %get3A_3 = arith.constant 0 : index
    %get3A_4 = vector.load %arg2[%get3A_2, %get3A_3] : memref<4000x1xf32, #tpu.memory_space<vmem>>, vector<4000x1xf32>
    %get3A_5 = arith.constant 0 : index
    %get3A_6 = arith.constant 0 : index
    %get3A_7 = vector.load %arg3[%get3A_5, %get3A_6] : memref<4000x128xf32, #tpu.memory_space<vmem>>, vector<4000x128xf32>
    %get3A_8 = arith.constant 0 : index
    %get3A_9 = arith.constant 0 : index
    %get3A_10 = vector.load %arg4[%get3A_8, %get3A_9] : memref<1x128xf32, #tpu.memory_space<vmem>>, vector<1x128xf32>
    %sub3A = vector.broadcast %get3A_1 : vector<4000x1xf32> to vector<4000x128xf32>
    %sub3A_11 = vector.broadcast %get3A_10 : vector<1x128xf32> to vector<4000x128xf32>
    %sub3A_12 = arith.subf %sub3A, %sub3A_11 : vector<4000x128xf32>
    %mul3A = arith.constant -472.74231 : f32
    %mul3A_13 = vector.broadcast %mul3A : f32 to vector<4000x128xf32>
    %mul3A_14 = arith.mulf %mul3A_13, %sub3A_12 : vector<4000x128xf32>
    %mul3A_15 = arith.mulf %mul3A_14, %sub3A_12 : vector<4000x128xf32>
    %bitcast_convert_type3A = tpu.bitcast %get3A_7 : vector<4000x128xf32> -> vector<4000x128xi32>
    %and3A = arith.constant 2147483647 : i32
    %and3A_16 = vector.broadcast %and3A : i32 to vector<4000x128xi32>
    %and3A_17 = arith.andi %bitcast_convert_type3A, %and3A_16 : vector<4000x128xi32>
    %shift_right_logical3A = arith.constant 23 : i32
    %shift_right_logical3A_18 = vector.broadcast %shift_right_logical3A : i32 to vector<4000x128xi32>
    %shift_right_logical3A_19 = arith.shrui %and3A_17, %shift_right_logical3A_18 : vector<4000x128xi32>
    %and3A_20 = arith.constant 8388607 : i32
    %and3A_21 = vector.broadcast %and3A_20 : i32 to vector<4000x128xi32>
    %and3A_22 = arith.andi %and3A_17, %and3A_21 : vector<4000x128xi32>
    %or3A = arith.constant 1065353216 : i32
    %or3A_23 = vector.broadcast %or3A : i32 to vector<4000x128xi32>
    %or3A_24 = arith.ori %and3A_22, %or3A_23 : vector<4000x128xi32>
    %bitcast_convert_type3A_25 = tpu.bitcast %or3A_24 : vector<4000x128xi32> -> vector<4000x128xf32>
    %sub3A_26 = arith.constant 1.000000e+00 : f32
    %sub3A_27 = vector.broadcast %sub3A_26 : f32 to vector<4000x128xf32>
    %sub3A_28 = arith.subf %bitcast_convert_type3A_25, %sub3A_27 : vector<4000x128xf32>
    %mul3A_29 = arith.constant -0.00887469668 : f32
    %mul3A_30 = vector.broadcast %mul3A_29 : f32 to vector<4000x128xf32>
    %mul3A_31 = arith.mulf %mul3A_30, %sub3A_28 : vector<4000x128xf32>
    %add3A = arith.constant 0.0502775088 : f32
    %add3A_32 = vector.broadcast %add3A : f32 to vector<4000x128xf32>
    %add3A_33 = arith.addf %mul3A_31, %add3A_32 : vector<4000x128xf32>
    %mul3A_34 = arith.mulf %add3A_33, %sub3A_28 : vector<4000x128xf32>
    %add3A_35 = arith.constant -0.134534255 : f32
    %add3A_36 = vector.broadcast %add3A_35 : f32 to vector<4000x128xf32>
    %add3A_37 = arith.addf %mul3A_34, %add3A_36 : vector<4000x128xf32>
    %mul3A_38 = arith.mulf %add3A_37, %sub3A_28 : vector<4000x128xf32>
    %add3A_39 = arith.constant 0.239231661 : f32
    %add3A_40 = vector.broadcast %add3A_39 : f32 to vector<4000x128xf32>
    %add3A_41 = arith.addf %mul3A_38, %add3A_40 : vector<4000x128xf32>
    %mul3A_42 = arith.mulf %add3A_41, %sub3A_28 : vector<4000x128xf32>
    %add3A_43 = arith.constant -0.345996022 : f32
    %add3A_44 = vector.broadcast %add3A_43 : f32 to vector<4000x128xf32>
    %add3A_45 = arith.addf %mul3A_42, %add3A_44 : vector<4000x128xf32>
    %mul3A_46 = arith.mulf %add3A_45, %sub3A_28 : vector<4000x128xf32>
    %add3A_47 = arith.constant 0.478323549 : f32
    %add3A_48 = vector.broadcast %add3A_47 : f32 to vector<4000x128xf32>
    %add3A_49 = arith.addf %mul3A_46, %add3A_48 : vector<4000x128xf32>
    %mul3A_50 = arith.mulf %add3A_49, %sub3A_28 : vector<4000x128xf32>
    %add3A_51 = arith.constant -0.721114635 : f32
    %add3A_52 = vector.broadcast %add3A_51 : f32 to vector<4000x128xf32>
    %add3A_53 = arith.addf %mul3A_50, %add3A_52 : vector<4000x128xf32>
    %mul3A_54 = arith.mulf %add3A_53, %sub3A_28 : vector<4000x128xf32>
    %add3A_55 = arith.constant 1.4426868 : f32
    %add3A_56 = vector.broadcast %add3A_55 : f32 to vector<4000x128xf32>
    %add3A_57 = arith.addf %mul3A_54, %add3A_56 : vector<4000x128xf32>
    %mul3A_58 = arith.mulf %add3A_57, %sub3A_28 : vector<4000x128xf32>
    %add3A_59 = arith.constant 4.88635798E-8 : f32
    %add3A_60 = vector.broadcast %add3A_59 : f32 to vector<4000x128xf32>
    %add3A_61 = arith.addf %mul3A_58, %add3A_60 : vector<4000x128xf32>
    %convert_element_type3A = arith.sitofp %shift_right_logical3A_19 : vector<4000x128xi32> to vector<4000x128xf32>
    %add3A_62 = arith.addf %convert_element_type3A, %add3A_61 : vector<4000x128xf32>
    %sub3A_63 = arith.constant 1.270000e+02 : f32
    %sub3A_64 = vector.broadcast %sub3A_63 : f32 to vector<4000x1xf32>
    %sub3A_65 = arith.subf %get3A_4, %sub3A_64 : vector<4000x1xf32>
    %add3A_66 = vector.broadcast %sub3A_65 : vector<4000x1xf32> to vector<4000x128xf32>
    %add3A_67 = arith.addf %mul3A_15, %add3A_66 : vector<4000x128xf32>
    %add3A_68 = arith.addf %add3A_62, %add3A_67 : vector<4000x128xf32>
    %lt3A = arith.constant -1.260000e+02 : f32
    %lt3A_69 = vector.broadcast %lt3A : f32 to vector<4000x128xf32>
    %lt3A_70 = arith.cmpf olt, %add3A_68, %lt3A_69 : vector<4000x128xf32>
    %jit3A = arith.constant -1.000000e+30 : f32
    %broadcast_in_dim3A = vector.broadcast %jit3A : f32 to vector<4000x128xf32>
    %select_n3A = arith.select %lt3A_70, %broadcast_in_dim3A, %add3A_68 : vector<4000x128xi1>, vector<4000x128xf32>
    %swap3A = arith.constant 0 : index
    %swap3A_71 = arith.constant 0 : index
    %swap3A_72 = arith.constant 0 : index
    %swap3A_73 = vector.load %arg5[%swap3A, %swap3A_71, %swap3A_72] : memref<2x4000x128xf32, #tpu.memory_space<vmem>>, vector<1x4000x128xf32>
    %swap3A_74 = vector.shape_cast %swap3A_73 : vector<1x4000x128xf32> to vector<4000x128xf32>
    %swap3A_75 = vector.shape_cast %select_n3A : vector<4000x128xf32> to vector<1x4000x128xf32>
    tpu.vector_store %arg5[%swap3A, %swap3A_71, %swap3A_72], %swap3A_75 {strides = array<i32>} : memref<2x4000x128xf32, #tpu.memory_space<vmem>>, vector<1x4000x128xf32>,
    %lt3A_76 = arith.constant 0.000000e+00 : f32
    %lt3A_77 = vector.broadcast %lt3A_76 : f32 to vector<4000x128xf32>
    %lt3A_78 = arith.cmpf olt, %get3A_7, %lt3A_77 : vector<4000x128xf32>
    %jit3A_79 = arith.constant 1.000000e+00 : f32
    %jit3A_80 = arith.constant 0.000000e+00 : f32
    %broadcast_in_dim3A_81 = vector.broadcast %jit3A_79 : f32 to vector<4000x128xf32>
    %broadcast_in_dim3A_82 = vector.broadcast %jit3A_80 : f32 to vector<4000x128xf32>
    %select_n3A_83 = arith.select %lt3A_78, %broadcast_in_dim3A_81, %broadcast_in_dim3A_82 : vector<4000x128xi1>, vector<4000x128xf32>
    %swap3A_84 = arith.constant 1 : index
    %swap3A_85 = arith.constant 0 : index
    %swap3A_86 = arith.constant 0 : index
    %swap3A_87 = vector.load %arg5[%swap3A_84, %swap3A_85, %swap3A_86] : memref<2x4000x128xf32, #tpu.memory_space<vmem>>, vector<1x4000x128xf32>
    %swap3A_88 = vector.shape_cast %swap3A_87 : vector<1x4000x128xf32> to vector<4000x128xf32>
    %swap3A_89 = vector.shape_cast %select_n3A_83 : vector<4000x128xf32> to vector<1x4000x128xf32>
    tpu.vector_store %arg5[%swap3A_84, %swap3A_85, %swap3A_86], %swap3A_89 {strides = array<i32>} : memref<2x4000x128xf32, #tpu.memory_space<vmem>>, vector<1x4000x128xf32>,
    return
  }
  func.func @transform_0(%arg0: i32) -> (i32, i32) {
    %c0_i32 = arith.constant 0 : i32
    %c0_i32_0 = arith.constant 0 : i32
    return %arg0, %c0_i32 : i32, i32
  }
  func.func @transform_1(%arg0: i32) -> (i32, i32) {
    %c0_i32 = arith.constant 0 : i32
    %c0_i32_0 = arith.constant 0 : i32
    return %arg0, %c0_i32 : i32, i32
  }
  func.func @transform_2(%arg0: i32) -> (i32, i32) {
    %c0_i32 = arith.constant 0 : i32
    %c0_i32_0 = arith.constant 0 : i32
    return %arg0, %c0_i32 : i32, i32
  }
  func.func @transform_3(%arg0: i32) -> (i32, i32) {
    %c0_i32 = arith.constant 0 : i32
    %c0_i32_0 = arith.constant 0 : i32
    %c0_i32_1 = arith.constant 0 : i32
    return %c0_i32, %c0_i32_0 : i32, i32
  }
  func.func @transform_4(%arg0: i32) -> (i32, i32, i32) {
    %c0_i32 = arith.constant 0 : i32
    %c0_i32_0 = arith.constant 0 : i32
    %c0_i32_1 = arith.constant 0 : i32
    return %c0_i32, %arg0, %c0_i32_0 : i32, i32, i32
  }
}

module attributes {stable_mosaic.version = 14 : i64} {
  func.func @_k3_body(%arg0: i32, %arg1: memref<2x2000x128xf32, #tpu.memory_space<vmem>>, %arg2: memref<128x128xf32, #tpu.memory_space<vmem>>, %arg3: memref<1x128xf32, #tpu.memory_space<vmem>>, %arg4: memref<2000x128xf32, #tpu.memory_space<vmem>>) attributes {dimension_semantics = [#tpu.dimension_semantics<arbitrary>], iteration_bounds = array<i64: 5>, scalar_prefetch = 0 : i64, scratch_operands = 0 : i64, tpu.core_type = #tpu.core_type<tc>, window_params = [{transform_indices = @transform_0, window_bounds = array<i64: 2, 2000, 128>}, {pipeline_mode = #tpu.pipeline_mode<synchronous>, transform_indices = @transform_1, window_bounds = array<i64: 128, 128>}, {pipeline_mode = #tpu.pipeline_mode<synchronous>, transform_indices = @transform_2, window_bounds = array<i64: 1, 128>}, {transform_indices = @transform_3, window_bounds = array<i64: 2000, 128>}]} {
    %get3A = arith.constant 0 : index
    %get3A_0 = arith.constant 0 : index
    %get3A_1 = arith.constant 0 : index
    %get3A_2 = vector.load %arg1[%get3A, %get3A_0, %get3A_1] : memref<2x2000x128xf32, #tpu.memory_space<vmem>>, vector<1x2000x128xf32>
    %get3A_3 = vector.shape_cast %get3A_2 : vector<1x2000x128xf32> to vector<2000x128xf32>
    %get3A_4 = arith.constant 1 : index
    %get3A_5 = arith.constant 0 : index
    %get3A_6 = arith.constant 0 : index
    %get3A_7 = vector.load %arg1[%get3A_4, %get3A_5, %get3A_6] : memref<2x2000x128xf32, #tpu.memory_space<vmem>>, vector<1x2000x128xf32>
    %get3A_8 = vector.shape_cast %get3A_7 : vector<1x2000x128xf32> to vector<2000x128xf32>
    %mul3A = arith.constant 5.000000e-01 : f32
    %mul3A_9 = vector.broadcast %mul3A : f32 to vector<2000x128xf32>
    %mul3A_10 = arith.mulf %get3A_8, %mul3A_9 : vector<2000x128xf32>
    %floor3A = math.floor %mul3A_10 : vector<2000x128xf32>
    %mul3A_11 = arith.constant 2.000000e+00 : f32
    %mul3A_12 = vector.broadcast %mul3A_11 : f32 to vector<2000x128xf32>
    %mul3A_13 = arith.mulf %mul3A_12, %floor3A : vector<2000x128xf32>
    %sub3A = arith.subf %get3A_8, %mul3A_13 : vector<2000x128xf32>
    %exp23A = math.exp2 %get3A_3 : vector<2000x128xf32>
    %mul3A_14 = arith.constant 2.000000e+00 : f32
    %mul3A_15 = vector.broadcast %mul3A_14 : f32 to vector<2000x128xf32>
    %mul3A_16 = arith.mulf %mul3A_15, %sub3A : vector<2000x128xf32>
    %sub3A_17 = arith.constant 1.000000e+00 : f32
    %sub3A_18 = vector.broadcast %sub3A_17 : f32 to vector<2000x128xf32>
    %sub3A_19 = arith.subf %sub3A_18, %mul3A_16 : vector<2000x128xf32>
    %mul3A_20 = arith.mulf %exp23A, %sub3A_19 : vector<2000x128xf32>
    %get3A_21 = arith.constant 0 : index
    %get3A_22 = arith.constant 0 : index
    %get3A_23 = vector.load %arg2[%get3A_21, %get3A_22] : memref<128x128xf32, #tpu.memory_space<vmem>>, vector<128x128xf32>
    %dot_general3A = arith.constant dense<0.000000e+00> : vector<2000x128xf32>
    %dot_general3A_24 = tpu.matmul %mul3A_20, %get3A_23, %dot_general3A {dimension_numbers = #tpu.dot_dimension_numbers<[1], [0], [0], [1], [0, 0, 1, 1], [], []>, transpose_lhs_hint = false} : vector<2000x128xf32>, vector<128x128xf32>, vector<2000x128xf32> -> vector<2000x128xf32>
    %get3A_25 = arith.constant 0 : index
    %get3A_26 = arith.constant 0 : index
    %get3A_27 = vector.load %arg3[%get3A_25, %get3A_26] : memref<1x128xf32, #tpu.memory_space<vmem>>, vector<1x128xf32>
    %add3A = vector.broadcast %get3A_27 : vector<1x128xf32> to vector<2000x128xf32>
    %add3A_28 = arith.addf %dot_general3A_24, %add3A : vector<2000x128xf32>
    %max3A = arith.constant 0.000000e+00 : f32
    %max3A_29 = vector.broadcast %max3A : f32 to vector<2000x128xf32>
    %max3A_30 = arith.maximumf %add3A_28, %max3A_29 : vector<2000x128xf32>
    %abs3A = math.absf %add3A_28 : vector<2000x128xf32>
    %neg3A = arith.constant 0.000000e+00 : f32
    %neg3A_31 = vector.broadcast %neg3A : f32 to vector<2000x128xf32>
    %neg3A_32 = arith.subf %neg3A_31, %abs3A : vector<2000x128xf32>
    %exp3A = math.exp %neg3A_32 : vector<2000x128xf32>
    %log1p3A = math.log1p %exp3A : vector<2000x128xf32>
    %add3A_33 = arith.addf %max3A_30, %log1p3A : vector<2000x128xf32>
    %sub3A_34 = arith.constant 0.693147182 : f32
    %sub3A_35 = vector.broadcast %sub3A_34 : f32 to vector<2000x128xf32>
    %sub3A_36 = arith.subf %add3A_33, %sub3A_35 : vector<2000x128xf32>
    %swap3A = arith.constant 0 : index
    %swap3A_37 = arith.constant 0 : index
    %swap3A_38 = vector.load %arg4[%swap3A, %swap3A_37] : memref<2000x128xf32, #tpu.memory_space<vmem>>, vector<2000x128xf32>
    tpu.vector_store %arg4[%swap3A, %swap3A_37], %sub3A_36 {strides = array<i32>} : memref<2000x128xf32, #tpu.memory_space<vmem>>, vector<2000x128xf32>,
    return
  }
  func.func @transform_0(%arg0: i32) -> (i32, i32, i32) {
    %c0_i32 = arith.constant 0 : i32
    %c0_i32_0 = arith.constant 0 : i32
    %c0_i32_1 = arith.constant 0 : i32
    return %c0_i32, %arg0, %c0_i32_0 : i32, i32, i32
  }
  func.func @transform_1(%arg0: i32) -> (i32, i32) {
    %c0_i32 = arith.constant 0 : i32
    %c0_i32_0 = arith.constant 0 : i32
    %c0_i32_1 = arith.constant 0 : i32
    return %c0_i32, %c0_i32_0 : i32, i32
  }
  func.func @transform_2(%arg0: i32) -> (i32, i32) {
    %c0_i32 = arith.constant 0 : i32
    %c0_i32_0 = arith.constant 0 : i32
    %c0_i32_1 = arith.constant 0 : i32
    return %c0_i32, %c0_i32_0 : i32, i32
  }
  func.func @transform_3(%arg0: i32) -> (i32, i32) {
    %c0_i32 = arith.constant 0 : i32
    %c0_i32_0 = arith.constant 0 : i32
    return %arg0, %c0_i32 : i32, i32
  }
}

</mosaic_0001>

<sc_bundles>
// kernel: kernel.6.cloned.1.call-start
scs
__scs_entry_jumppad:
0x0: {  	(pc) =	sbr.rel $0x88, $3  }
0x1: {  	(tag) =	ssettag $0x0;
	lr =	simm.s32 $0x1  }
0x2: {  	[smem:$0x3F9C] =	sst lr;
	_ =	strace $0xD0000000  }
0x3: {  	_ = 	snop  }
0x4: {  	_ = 	snop  }
0x5: {  	_ = 	snop  }
0x6: {  	_ = 	snop  }
0x7: {  	_ = 	snop  }
__scs_overlays_trampoline_lowered:
0x8: {  	[smem:$0x3FAB] =	sst s0  }
0x9: {  	[smem:$0x3FAC] =	sst s1  }
0xa: {  	[smem:$0x3FAD] =	sst s2  }
0xb: {  	[smem:$0x3FAE] =	sst s3  }
0xc: {  	[smem:$0x3FAF] =	sst s4  }
0xd: {  	[smem:$0x3FB0] =	sst s5  }
0xe: {  	[smem:$0x3FB1] =	sst s6  }
0xf: {  	[smem:$0x3FB2] =	sst s7  }
0x10: {  	[smem:$0x3FB3] =	sst s8  }
0x11: {  	[smem:$0x3FB4] =	sst s9;
	s0 =	simm.s32 @!p0 $0x0  }
0x12: {  	s1 =	sld [smem:$0x3F9A];
	s0 =	simm.s32 @p0 $0x1  }
0x13: {  	[smem:$0x3FB5] =	sst s0;
	s0 =	simm.s32 @!p1 $0x0  }
0x14: {  	s2 =	sld [smem:$0x3F99];
	s0 =	simm.s32 @p1 $0x1  }
0x15: {  	[smem:$0x3FB6] =	sst s0;
	s0 =	simm.s32 @!p2 $0x0  }
0x16: {  	s3 =	sld [smem:$0x3FDB];
	s0 =	simm.s32 @p2 $0x1  }
0x17: {  	s4 =	simm.s32 $0x1BF5;
	[smem:$0x3FB8] =	sst s0  }
0x18: {  	s0 =	sld [smem:$0x3F9B];
	_ =	swait.ge [sflag:s4], $0x0  }
0x19: {  	s7 =	sld [smem:$0x3F9C]  }
0x1a: {  	s8 =	sadd.s32 $0xFFFFE003, lr  }
0x1b: {  	s9 =	sadd.s32 $0xFFFFFEF7, lr;
	s5 =	simm.s32 $0xFFFFFFFF;
	p2 =	slt.u32 s8, $0xFFFFF086  }
0x1c: {  	p1 =	slt.u32 s9, $0xF7A;
	s5 =	simm.s32 @!p2 $0x0  }
0x1d: {  	s5 =	simm.s32 @p1 $0x1;
	p0 =	seq.s32 s7, s2  }
0x1e: {  	s7 =	smul.u32 @!p0 $0xF7A, s2;
	p2 =	seq.s32 @!p0 s5, $0x0  }
0x1f: {  	s9 =	smul.u32 $0xF7A, s1;
	s8 =	simm.s32 @!p0 $0x1BF5;
	p2 =	por !p2, p0  }
0x20: {  	[sflag:s8] =	ssyncset.s32 @!p0 $0xFFFFF086;
	s6 =	sadd.s32 @!p0 s3, s7;
	s7 =	simm.s32 @!p0 $0x108  }
0x21: {  	s3 =	sadd.s32 s3, s9;
	s6 =	sadd.s32 @!p0 $0x88, s6;
	s7 =	simm.s32 @p2 $0x1082  }
0x22: {  	[simem:s7], [sflag:s8] =	dma.local @!p0 [hbm:s6], $0xF7A  }
0x23: {  	s9 =	sor.u32 $0xD0000000, s2;
	s6 =	simm.s32 $0x108;
	_ =	swait.ge @!p0 [sflag:s8], $0x0  }
0x24: {  	s3 =	sadd.s32 $0x88, s3;
	s6 =	simm.s32 @!p1 $0x1082;
	[sflag:s4] =	ssyncset.s32 $0xFFFFF086  }
0x25: {  	[simem:s6], [sflag:s4] =	dma.local [hbm:s3], $0xF7A  }
0x26: {  	[smem:$0x3F9C] =	sst s1;
	(tag) =	ssettag s2;
	_ =	strace s9  }
0x27: {  	s1 =	sld [smem:$0x3FAC]  }
0x28: {  	s2 =	sld [smem:$0x3FAD]  }
0x29: {  	s4 =	sld [smem:$0x3FAF]  }
0x2a: {  	p0 =	seq.s32 s5, $0x0;
	s5 =	sld [smem:$0x3FB0]  }
0x2b: {  	s6 =	sld [smem:$0x3FB1]  }
0x2c: {  	s7 =	sld [smem:$0x3FB2]  }
0x2d: {  	s3 =	simm.s32 $0x108;
	s8 =	sld [smem:$0x3FB3]  }
0x2e: {  	s3 =	simm.s32 @!p0 $0x1082;
	s9 =	sld [smem:$0x3FB4]  }
0x2f: {  	lr =	sadd.s32 s0, s3;
	s0 =	sld [smem:$0x3FAB]  }
0x30: {  	s3 =	sld [smem:$0x3FAE]  }
0x31: {  	[smem:$0x3FB7] =	sst s10  }
0x32: {  	s10 =	sld [smem:$0x3FB5];
	_ =	sdelay $0x3  }
0x33: {  	p0 =	seq.s32 s10, $0x1;
	s10 =	sld [smem:$0x3FB7];
	_ =	sdelay $0x3  }
0x34: {  	[smem:$0x3FB7] =	sst s10  }
0x35: {  	s10 =	sld [smem:$0x3FB6];
	_ =	sdelay $0x3  }
0x36: {  	p1 =	seq.s32 s10, $0x1;
	s10 =	sld [smem:$0x3FB7];
	_ =	sdelay $0x3  }
0x37: {  	[smem:$0x3FB7] =	sst s10  }
0x38: {  	s10 =	sld [smem:$0x3FB8]  }
0x39: {  	_ = 	snop;
	(pc) =	sbr.ind lr, $3  }
0x3a: {  	_ = 	snop  }
0x3b: {  	_ = 	snop  }
0x3c: {  	p2 =	seq.s32 s10, $0x1;
	s10 =	sld [smem:$0x3FB7]  }
0x3d: {  	_ =	shalt  }
0x3e: {  	_ =	shalt  }
0x3f: {  	_ =	shalt  }
0x40: {  	_ =	shalt  }
0x41: {  	_ =	shalt  }
0x42: {  	_ =	shalt  }
0x43: {  	_ =	shalt  }
0x44: {  	_ =	shalt  }
0x45: {  	_ =	shalt  }
0x46: {  	_ =	shalt  }
0x47: {  	_ =	shalt  }
0x48: {  	_ =	shalt  }
0x49: {  	_ =	shalt  }
0x4a: {  	_ =	shalt  }
0x4b: {  	_ =	shalt  }
0x4c: {  	_ =	shalt  }
0x4d: {  	_ =	shalt  }
0x4e: {  	_ =	shalt  }
0x4f: {  	_ =	shalt  }
0x50: {  	_ =	shalt  }
0x51: {  	_ =	shalt  }
0x52: {  	_ =	shalt  }
0x53: {  	_ =	shalt  }
0x54: {  	_ =	shalt  }
0x55: {  	_ =	shalt  }
0x56: {  	_ =	shalt  }
0x57: {  	_ =	shalt  }
0x58: {  	_ =	shalt  }
0x59: {  	_ =	shalt  }
0x5a: {  	_ =	shalt  }
0x5b: {  	_ =	shalt  }
0x5c: {  	_ =	shalt  }
0x5d: {  	_ =	shalt  }
0x5e: {  	_ =	shalt  }
0x5f: {  	_ =	shalt  }
0x60: {  	_ =	shalt  }
0x61: {  	_ =	shalt  }
0x62: {  	_ =	shalt  }
0x63: {  	_ =	shalt  }
0x64: {  	_ =	shalt  }
0x65: {  	_ =	shalt  }
0x66: {  	_ =	shalt  }
0x67: {  	_ =	shalt  }
0x68: {  	_ =	shalt  }
0x69: {  	_ =	shalt  }
0x6a: {  	_ =	shalt  }
0x6b: {  	_ =	shalt  }
0x6c: {  	_ =	shalt  }
0x6d: {  	_ =	shalt  }
0x6e: {  	_ =	shalt  }
0x6f: {  	_ =	shalt  }
0x70: {  	_ =	shalt  }
0x71: {  	_ =	shalt  }
0x72: {  	_ =	shalt  }
0x73: {  	_ =	shalt  }
0x74: {  	_ =	shalt  }
0x75: {  	_ =	shalt  }
0x76: {  	_ =	shalt  }
0x77: {  	_ =	shalt  }
0x78: {  	_ =	shalt  }
0x79: {  	_ =	shalt  }
0x7a: {  	_ =	shalt  }
0x7b: {  	_ =	shalt  }
0x7c: {  	_ =	shalt  }
0x7d: {  	_ =	shalt  }
0x7e: {  	_ =	shalt  }
0x7f: {  	_ =	shalt  }
0x80: {  	_ =	shalt  }
0x81: {  	_ =	shalt  }
0x82: {  	_ =	shalt  }
0x83: {  	_ =	shalt  }
0x84: {  	_ =	shalt  }
0x85: {  	_ =	shalt  }
0x86: {  	_ =	shalt  }
0x87: {  	_ =	shalt  }
.Lfunc_end0:
.L_simem_size_0:
called_computation_lowered:
.L_overlay_start_0:
0x88: {  	s2 =	sld [smem:$0x3FD9]  }
0x89: {  	s3 =	sld [smem:$0x3FFE];
	_ =	sdelay $0x1  }
0x8a: {  	s1 =	srdreg.scid  }
0x8b: {  	s0 =	sand.u32 $0x1, s1  }
0x8c: {  	s17 =	sshll.u32 s0, $0xA;
	s2 =	sadd.s32 s3, s2  }
0x8d: {  	s2 =	sadd.s32 s2, s17  }
0x8e: {  	[smem:$0x3FC3] =	sst s2  }
0x8f: {  	_ = 	snop  }
0x90: {  	s2 =	sld [smem:$0x3FD0];
	(tm) =	ssettm $0x1  }
0x91: {  	s18 =	sld [smem:$0x3FFB];
	_ =	sdelay $0x3  }
0x92: {  	_ =	strace s18  }
0x93: {  	s3 =	sld [smem:$0x3FFC];
	_ =	sdelay $0x3  }
0x94: {  	_ =	strace s3  }
0x95: {  	s3 =	sld [smem:$0x3FFD];
	_ =	sdelay $0x3  }
0x96: {  	_ =	strace s3  }
0x97: {  	_ =	strace $0x8FFFFFFF  }
0x98: {  	s19 =	sld [smem:$0x3FDB];
	_ =	sdelay $0x1  }
0x99: {  	s4 =	simm.s32 $_scs_section_size  }
0x9a: {  	s5 =	simm.s32 $_size__tile_overlayer_lowered;
	s6 =	simm.s32 $_tile_overlayer_lowered  }
0x9b: {  	s22 =	simm.s32 $0x1BFF;
	s21 =	sshll.u32 s6, $0x1;
	s3 =	sadd.s32 s4, s19  }
0x9c: {  	s7 =	simm.s32 $0x0;
	s20 =	sshll.u32 s5, $0x1;
	s5 =	sadd.s32 s21, s3  }
0x9d: {  	[timem:s7], [sflag:s22] =	dma.local [hbm:s5], s20  }
0x9e: {  	_ =	swait.ge [sflag:s22], s20  }
0x9f: {  	s4 =	ssub.s32 $0x0, s20;
	[sflag:s22] =	ssyncset.done $0x0  }
0xa0: {  	[sflag:s22] =	ssyncadd.s32 s4;
	_ =	sdelay $0x1  }
0xa1: {  	s23 =	simm.s32 $0x1B8B  }
0xa2: {  	_ =	swait.ge [sflag:s23], $0x1  }
0xa3: {  	[sflag:s23] =	ssyncset.done $0x0  }
0xa4: {  	s25 =	simm.s32 $0x1B8E;
	s24 =	sld [smem:$0x3FFE];
	[sflag:s23] =	ssyncadd.s32 $0xFFFFFFFF  }
0xa5: {  	s26 =	simm.s32 $execute0_lowered;
	[smem:$0x3FD2] =	sst s25  }
0xa6: {  	s5 =	sshll.u32 s26, $0x1;
	_ =	strace $0x80000046;
	[dreg:$0x1] =	wrdreg $0xFFFFFFFF  }
0xa7: {  	s28 =	simm.s32 $_size_execute0_lowered;
	s3 =	sadd.s32 s3, s5;
	[dreg:$0x0] =	wrdreg $0x0  }
0xa8: {  	s5 =	sshll.u32 s28, $0x1;
	[dreg:$0x2] =	wrdreg s3  }
0xa9: {  	[dreg:$0x3] =	wrdreg s5  }
0xaa: {  	[dreg:$0x4] =	wrdreg $0xC0  }
0xab: {  	_ =	task [dreg:s7], $0x5FFFF  }
0xac: {  	[dreg:$0x1] =	wrdreg $0xFFFFFFFF  }
0xad: {  	[dreg:$0x0] =	wrdreg $0x60  }
0xae: {  	[dreg:$0x2] =	wrdreg s24  }
0xaf: {  	[dreg:$0x3] =	wrdreg s2  }
0xb0: {  	[dreg:$0x4] =	wrdreg $0xA2000  }
0xb1: {  	[dreg:$0x5] =	wrdreg $0x9  }
0xb2: {  	_ =	task.clear_ibuf [dreg:s7], $0x6FFFF;
	_ =	strace $0x90000046  }
0xb3: {  	s29 =	simm.s32 $0x9;
	_ =	strace $0x80000048  }
0xb4: {  	_ =	swait.ge [sflag:s29], $0x1  }
0xb5: {  	[sflag:s29] =	ssyncadd.s32 $0xFFFFFFFF  }
0xb6: {  	_ =	strace $0x90000048  }
0xb7: {  	_ =	sfence  }
0xb8: {  	s30 =	sld [smem:$0x0];
	_ =	sdelay $0x2  }
0xb9: {  	s31 =	sshll.u32 s1, $0xD;
	s1 =	sshrl.u32 s1, $0x2  }
0xba: {  	s3 =	sand.u32 $0x4000, s31;
	s1 =	sadd.s32 s1, s30  }
0xbb: {  	s0 =	sor.u32 s3, s0;
	s1 =	sshll.u32 s1, $0x11  }
0xbc: {  	s0 =	sor.u32 s1, s0  }
0xbd: {  	s0 =	sadd.s32 $0x8F2B, s0  }
0xbe: {  	[sflag:s0] =	ssyncadd.remote.s32 $0x1  }
0xbf: {  	_ =	sfence.sel $0xFFFF  }
0xc0: {  	[dreg:$0x0] =	wrdreg $0xFFFFFFFF;
	(pc) =	sbr.abs _section_cstart, $3  }
0xc1: {  	[dreg:$0x1] =	wrdreg $0xFFFFFFFF  }
0xc2: {  	_ =	task.clear_ibuf [dreg:s7], $0x2FFFF;
	_ =	strace $0x9FFFFFFF  }
0xc3: {  	(tm) =	ssettm $0x7FFFFFFF  }
tec
execute0_lowered:
.L_overlay_start_1:
0x0: {  	(tag) =	ssettag $0x1  }
0x1: {  	s0 =	rddreg [dreg:$0x0]  }
0x2: {  	s1 =	rddreg [dreg:$0x1];
	s12 =	stileid.u32  }
0x3: {  	s2 =	rddreg [dreg:$0x2];
	s3 =	simm.s32 $0x0;
	s5 =	smul.u32 $0x4E000, s12  }
0x4: {  	s4 =	srdreg.scid;
	s30 =	simm.s32 $0x9;
	s20 =	smul.u32 $0x271000, s12  }
0x5: {  	s31 =	simm.s32 $0xA000;
	[smem:$0x7FF] =	sst s3;
	s22 =	smul.u32 $0xFA0, s12  }
0x6: {  	s6 =	sand.u32 $0x1, s4;
	s4 =	sadd.s32 $0x9C4A00, s0;
	s23 =	smul.u32 $0x7D00, s12  }
0x7: {  	s0 =	sadd.s32 $0xA00, s0;
	s13 =	sadd.s32 $0x136000, s2;
	s26 =	smul.u32 $0x13800, s12  }
0x8: {  	p0 =	sne.s32 s12, $0xF;
	s12 =	simm.s32 $0x50;
	s5 =	sshrl.u32 s5, $0x2  }
0x9: {  	_ =	strace $0x80000047;
	s7 =	ssub.s32 $0x2, s6;
	s5 =	sadd.s32 s5, s2  }
0xa: {  	s18 =	smul.u32 $0x2710000, s6;
	[dreg:$0xb] =	wrdreg s13;
	s17 =	sadd.s32 $0x2800, s5  }
0xb: {  	s6 =	smul.u32 $0x138800, s6;
	s9 =	sadd.s32 $0x5000, s5;
	[dreg:$0x4] =	wrdreg s17  }
0xc: {  	s8 =	sshrl.u32 s7, $0x1;
	s19 =	sadd.s32 $0x7800, s5;
	[dreg:$0x5] =	wrdreg s9  }
0xd: {  	s15 =	sadd.s32 s1, s22;
	s10 =	sadd.s32 $0xA000, s5;
	[dreg:$0x6] =	wrdreg s19  }
0xe: {  	s7 =	ssub.s32 s7, s8;
	s21 =	sadd.s32 $0xC800, s5;
	[dreg:$0x7] =	wrdreg s10  }
0xf: {  	s8 =	sadd.s32 s20, s18;
	s11 =	sadd.s32 $0xF000, s5;
	[dreg:$0x8] =	wrdreg s21  }
0x10: {  	s24 =	sadd.s32 $0x11800, s5;
	s25 =	sshrl.u32 s8, $0x3;
	[dreg:$0x9] =	wrdreg s11  }
0x11: {  	s18 =	sadd.s32 $0xA000, s8;
	s20 =	sadd.s32 $0xF000, s8;
	[dreg:$0xa] =	wrdreg s24  }
0x12: {  	s13 =	sadd.s32 s4, s25;
	s9 =	sshrl.u32 s23, $0x3;
	s11 =	sadd.s32 s26, s6  }
0x13: {  	s6 =	sshrl.u32 s6, $0x3;
	s17 =	smax.u32 s7, $0x1;
	[dreg:$0x12] =	wrdreg s18  }
0x14: {  	s19 =	sadd.s32 $0xC800, s8;
	s21 =	sadd.s32 $0x11800, s8;
	s22 =	sshrl.u32 s20, $0x3  }
0x15: {  	s25 =	sadd.s32 $0x10, s15;
	s7 =	simm.s32 $0xA100;
	s8 =	simm.s32 $0x7800  }
0x16: {  	s10 =	simm.s32 $0x1;
	s18 =	simm.s32 $0x7;
	s20 =	simm.s32 $0x8  }
0x17: {  	s28 =	sadd.s32 $0x500, s13;
	s1 =	sadd.s32 s1, s9;
	s9 =	sshrl.u32 s11, $0x3  }
0x18: {  	s6 =	sadd.s32 s0, s6;
	[dreg:$0x11] =	wrdreg s17;
	s23 =	sshrl.u32 s21, $0x3  }
0x19: {  	[dreg:$0x16] =	wrdreg s25;
	s26 =	sadd.s32 $0xA00, s13;
	s29 =	smov.u32 s13  }
0x1a: {  	s11 =	simm.s32 $0x5;
	s17 =	simm.s32 $0x3;
	[dreg:$0xc] =	wrdreg s28  }
0x1b: {  	s21 =	simm.s32 $0x0;
	s14 =	sadd.s32 $0x20, s1;
	[dreg:$0x17] =	wrdreg s26  }
0x1c: {  	s1 =	sadd.s32 $0x30, s1;
	s0 =	sadd.s32 s0, s9;
	[dreg:$0xd] =	wrdreg s14  }
0x1d: {  	s16 =	sadd.s32 $0x24900, s6;
	s24 =	sadd.s32 s23, s4;
	[dreg:$0xe] =	wrdreg s1  }
0x1e: {  	s28 =	sadd.s32 $0xF00, s13;
	s6 =	simm.s32 $0x5000;
	[dreg:$0xf] =	wrdreg s0  }
.Ltmp0:
0x1f: {  	s9 =	simm.s32 $0xA180;
	[dreg:$0x10] =	wrdreg s16;
	(pc) =	sbr.rel .LBB2_1-.Ltmp0, $4  }
0x20: {  	s13 =	simm.s32 $0x2;
	s0 =	sshrl.u32 s19, $0x3;
	[dreg:$0x15] =	wrdreg s24  }
0x21: {  	[dreg:$0x18] =	wrdreg s28;
	s1 =	simm.s32 $0xA080;
	s0 =	sadd.s32 s0, s4  }
0x22: {  	s16 =	simm.s32 $0x6;
	[dreg:$0x13] =	wrdreg s0;
	s0 =	sadd.s32 s22, s4  }
0x23: {  	v0 =	vimm.f32 $0.0e+00;
	s19 =	simm.s32 $0x4;
	[dreg:$0x14] =	wrdreg s0;
	s0 =	simm.s32 $0x2800  }
.LBB2_6:
0x24: {  	_ =	swait.ge [sflag:s19], $0x2800  }
0x25: {  	[sflag:s19] =	ssyncset.done $0x0  }
0x26: {  	[sflag:s19] =	ssyncadd.s32 $0xFFFFD800  }
0x27: {  	_ =	swait.ge [sflag:s20], $0x80  }
0x28: {  	[sflag:s20] =	ssyncset.done $0x0  }
0x29: {  	[sflag:s20] =	ssyncadd.s32 $0xFFFFFF80  }
0x2a: {  	[spmem:s2] =	stream.indirect.scatter.add.f32 [tilespmem:s8], [sflag:$0x9], $0x80, s9, s12, $0xb8;
	[tilespmem:$0x1DA80] =	vst v63  }
0x2b: {  	_ =	swait.ge [sflag:s30], $0x2800  }
0x2c: {  	[sflag:s30] =	ssyncset.done $0x0  }
0x2d: {  	[sflag:s30] =	ssyncadd.s32 $0xFFFFD800  }
0x2e: {  	_ =	swait.ge [sflag:s10], $0x2800  }
0x2f: {  	[sflag:s10] =	ssyncset.done $0x0  }
0x30: {  	[sflag:s10] =	ssyncadd.s32 $0xFFFFD800  }
0x31: {  	_ =	swait.ge [sflag:s11], $0x80  }
0x32: {  	[sflag:s11] =	ssyncset.done $0x0  }
0x33: {  	[sflag:s11] =	ssyncadd.s32 $0xFFFFFF80  }
0x34: {  	[spmem:s2] =	stream.indirect.scatter.add.f32 [tilespmem:s3], [sflag:$0x9], $0x80, s31, s12, $0xb8;
	[tilespmem:$0x1DA80] =	vst v63  }
0x35: {  	_ =	swait.ge [sflag:s30], $0x2800  }
0x36: {  	[sflag:s30] =	ssyncset.done $0x0  }
0x37: {  	[sflag:s30] =	ssyncadd.s32 $0xFFFFD800  }
0x38: {  	_ =	swait.ge [sflag:s13], $0x2800  }
0x39: {  	[sflag:s13] =	ssyncset.done $0x0  }
0x3a: {  	[sflag:s13] =	ssyncadd.s32 $0xFFFFD800  }
0x3b: {  	_ =	swait.ge [sflag:s16], $0x80  }
0x3c: {  	[sflag:s16] =	ssyncset.done $0x0  }
0x3d: {  	[sflag:s16] =	ssyncadd.s32 $0xFFFFFF80  }
0x3e: {  	[spmem:s2] =	stream.indirect.scatter.add.f32 [tilespmem:s0], [sflag:$0x9], $0x80, s1, s12, $0xb8;
	[tilespmem:$0x1DA80] =	vst v63  }
0x3f: {  	_ =	swait.ge [sflag:s30], $0x2800  }
0x40: {  	[sflag:s30] =	ssyncset.done $0x0  }
0x41: {  	s14 =	stileid.u32;
	[sflag:s30] =	ssyncadd.s32 $0xFFFFD800  }
0x42: {  	s14 =	sshll.u32 @p0 s14, $0x6;
	[bflag:$0x0] =	sbarrier.arrive $0xFFFF  }
0x43: {  	s22 =	sshrl.u32 @p0 s5, $0x3;
	s14 =	sor.u32 @p0 $0x1C09, s14;
	s23 =	rddreg [dreg:$0xf]  }
0x44: {  	[hbm:s23], [sflag:s14] =	dma.local @p0 [spmem:s22], $0x2700  }
0x45: {  	s14 =	simm.s32 @p0 $0x9  }
0x46: {  	_ =	swait.ge @p0 [sflag:s14], $0x2700  }
0x47: {  	s22 =	simm.s32 @!p0 $0x1FC9;
	[sflag:s14] =	ssyncset.done @p0 $0x0  }
0x48: {  	s23 =	rddreg [dreg:$0x10];
	[sflag:s14] =	ssyncadd.s32 @p0 $0xFFFFD900;
	s14 =	sshrl.u32 @!p0 s5, $0x3  }
0x49: {  	[hbm:s23], [sflag:s22] =	dma.local @!p0 [spmem:s14], $0x2800  }
0x4a: {  	s14 =	simm.s32 @!p0 $0x9  }
0x4b: {  	_ =	swait.ge @!p0 [sflag:s14], $0x2800  }
0x4c: {  	s21 =	sadd.s32 $0x1, s21;
	s28 =	rddreg [dreg:$0x11]  }
0x4d: {  	p1 =	sne.s32 s21, s28  }
.Ltmp1:
0x4e: {  	_ = 	snop;
	(pc) =	sbr.rel @!p1 .LBB2_7-.Ltmp1, $3  }
0x4f: {  	_ =	sdelay $0x1  }
0x50: {  	[sflag:s14] =	ssyncset.done @!p0 $0x0  }
0x51: {  	[sflag:s14] =	ssyncadd.s32 @!p0 $0xFFFFD800  }
.LBB2_1:
0x52: {  	s14 =	sand.u32 $0xFE00, s3  }
0x53: {  	s22 =	sand.u32 $0x70, s3;
	s23 =	sshrl.u32 s14, $0x2  }
0x54: {  	s14 =	simm.s32 $0x40;
	s23 =	sor.u32 s22, s23;
	s22 =	simm.s32 $0x0  }
.LBB2_2:
0x55: {  	p1 =	sne.s32 s14, $0x9FC0  }
0x56: {  	[tilespmem:s23+$0x0] =	vst v0;
	s22 =	sadd.s32 $0x10, s22;
	s23 =	smov.u32 s14;
	s14 =	sadd.s32 $0x40, s14  }
.Ltmp2:
0x57: {  	(pc) =	sbr.rel @p1 .LBB2_2-.Ltmp2, $4  }
0x58: {  	_ = 	snop  }
0x59: {  	s23 =	sand.u32 $0xFE00, s23  }
0x5a: {  	s24 =	sand.u32 $0x70, s22;
	s23 =	sshrl.u32 s23, $0x2  }
0x5b: {  	s23 =	sor.u32 s24, s23  }
0x5c: {  	[tilespmem:s23+$0x0] =	vst v0  }
0x5d: {  	[spmem:s5] =	stream.linear.scatter [tilespmem:s3], [sflag:$0x9], $0x2800, $0x38;
	[tilespmem:$0x1DA80] =	vst v63  }
0x5e: {  	_ =	swait.ge [sflag:s30], $0x2800  }
0x5f: {  	[sflag:s30] =	ssyncset.done $0x0  }
0x60: {  	s14 =	rddreg [dreg:$0x4];
	[sflag:s30] =	ssyncadd.s32 $0xFFFFD800  }
0x61: {  	[spmem:s14] =	stream.linear.scatter [tilespmem:s3], [sflag:$0x9], $0x2800, $0x38;
	[tilespmem:$0x1DA80] =	vst v63  }
0x62: {  	_ =	swait.ge [sflag:s30], $0x2800  }
0x63: {  	[sflag:s30] =	ssyncset.done $0x0  }
0x64: {  	s22 =	rddreg [dreg:$0x5];
	[sflag:s30] =	ssyncadd.s32 $0xFFFFD800  }
0x65: {  	[spmem:s22] =	stream.linear.scatter [tilespmem:s3], [sflag:$0x9], $0x2800, $0x38;
	[tilespmem:$0x1DA80] =	vst v63  }
0x66: {  	_ =	swait.ge [sflag:s30], $0x2800  }
0x67: {  	[sflag:s30] =	ssyncset.done $0x0  }
0x68: {  	s23 =	rddreg [dreg:$0x6];
	[sflag:s30] =	ssyncadd.s32 $0xFFFFD800  }
0x69: {  	[spmem:s23] =	stream.linear.scatter [tilespmem:s3], [sflag:$0x9], $0x2800, $0x38;
	[tilespmem:$0x1DA80] =	vst v63  }
0x6a: {  	_ =	swait.ge [sflag:s30], $0x2800  }
0x6b: {  	[sflag:s30] =	ssyncset.done $0x0  }
0x6c: {  	s24 =	rddreg [dreg:$0x7];
	[sflag:s30] =	ssyncadd.s32 $0xFFFFD800  }
0x6d: {  	[spmem:s24] =	stream.linear.scatter [tilespmem:s3], [sflag:$0x9], $0x2800, $0x38;
	[tilespmem:$0x1DA80] =	vst v63  }
0x6e: {  	_ =	swait.ge [sflag:s30], $0x2800  }
0x6f: {  	[sflag:s30] =	ssyncset.done $0x0  }
0x70: {  	s25 =	rddreg [dreg:$0x8];
	[sflag:s30] =	ssyncadd.s32 $0xFFFFD800  }
0x71: {  	[spmem:s25] =	stream.linear.scatter [tilespmem:s3], [sflag:$0x9], $0x2800, $0x38;
	[tilespmem:$0x1DA80] =	vst v63  }
0x72: {  	_ =	swait.ge [sflag:s30], $0x2800  }
0x73: {  	[sflag:s30] =	ssyncset.done $0x0  }
0x74: {  	s26 =	rddreg [dreg:$0x9];
	[sflag:s30] =	ssyncadd.s32 $0xFFFFD800  }
0x75: {  	[spmem:s26] =	stream.linear.scatter [tilespmem:s3], [sflag:$0x9], $0x2800, $0x38;
	[tilespmem:$0x1DA80] =	vst v63  }
0x76: {  	_ =	swait.ge [sflag:s30], $0x2800  }
0x77: {  	[sflag:s30] =	ssyncset.done $0x0  }
0x78: {  	s14 =	simm.s32 @p0 $0x0;
	s22 =	rddreg [dreg:$0xa];
	[sflag:s30] =	ssyncadd.s32 $0xFFFFD800  }
0x79: {  	[spmem:s22] =	stream.linear.scatter @p0 [tilespmem:s14], [sflag:$0x9], $0x2000, $0x38;
	[tilespmem:$0x1DA80] =	vst v63  }
0x7a: {  	s14 =	simm.s32 @p0 $0x9  }
0x7b: {  	_ =	swait.ge @p0 [sflag:s14], $0x2000  }
0x7c: {  	[sflag:s14] =	ssyncset.done @p0 $0x0  }
0x7d: {  	s22 =	rddreg [dreg:$0xb];
	[sflag:s14] =	ssyncadd.s32 @p0 $0xFFFFE000;
	s14 =	simm.s32 @!p0 $0x0  }
0x7e: {  	[spmem:s22] =	stream.linear.scatter @!p0 [tilespmem:s14], [sflag:$0x9], $0x2800, $0x38;
	[tilespmem:$0x1DA80] =	vst v63  }
0x7f: {  	s14 =	simm.s32 @!p0 $0x9  }
0x80: {  	_ =	swait.ge @!p0 [sflag:s14], $0x2800  }
0x81: {  	[sflag:s14] =	ssyncset.done @!p0 $0x0  }
0x82: {  	[sflag:s14] =	ssyncadd.s32 @!p0 $0xFFFFD800  }
0x83: {  	s22 =	simm.s32 $0x0;
	[bflag:$0x0] =	sbarrier.arrive $0xFFFF  }
0x84: {  	[tilespmem:s22], [sflag:$0x1] =	stream.linear.gather [hbm4b:s29+s22], $0x2800, $0x38;
	[tilespmem:$0x1DA80] =	vst v63  }
0x85: {  	s28 =	rddreg [dreg:$0xc]  }
0x86: {  	s23 =	rddreg [dreg:$0x16]  }
0x87: {  	s24 =	rddreg [dreg:$0x17]  }
0x88: {  	s25 =	rddreg [dreg:$0xd]  }
0x89: {  	[tilespmem:s31], [sflag:$0x5] =	stream.linear.gather [hbm4b:s15+s22], $0x80, $0x38;
	[tilespmem:$0x1DA80] =	vst v63  }
0x8a: {  	s26 =	rddreg [dreg:$0x18]  }
0x8b: {  	[tilespmem:s0], [sflag:$0x2] =	stream.linear.gather [hbm4b:s28+s22], $0x2800, $0x38;
	[tilespmem:$0x1DA80] =	vst v63  }
0x8c: {  	s14 =	rddreg [dreg:$0x13]  }
0x8d: {  	[tilespmem:s1], [sflag:$0x6] =	stream.linear.gather [hbm4b:s23+s22], $0x80, $0x38;
	[tilespmem:$0x1DA80] =	vst v63  }
0x8e: {  	s28 =	rddreg [dreg:$0xe]  }
0x8f: {  	[tilespmem:s6], [sflag:$0x3] =	stream.linear.gather [hbm4b:s24+s22], $0x2800, $0x38;
	[tilespmem:$0x1DA80] =	vst v63  }
0x90: {  	s24 =	rddreg [dreg:$0x14]  }
0x91: {  	[tilespmem:s7], [sflag:$0x7] =	stream.linear.gather [hbm4b:s25+s22], $0x80, $0x38;
	[tilespmem:$0x1DA80] =	vst v63  }
0x92: {  	s25 =	rddreg [dreg:$0x15]  }
0x93: {  	[tilespmem:s8], [sflag:$0x4] =	stream.linear.gather [hbm4b:s26+s22], $0x2800, $0x38;
	[tilespmem:$0x1DA80] =	vst v63  }
0x94: {  	s26 =	rddreg [dreg:$0x12]  }
0x95: {  	[tilespmem:s9], [sflag:$0x8] =	stream.linear.gather [hbm4b:s28+s22], $0x80, $0x38;
	[tilespmem:$0x1DA80] =	vst v63  }
.LBB2_4:
0x96: {  	_ =	swait.ge [sflag:s10], $0x2800  }
0x97: {  	[sflag:s10] =	ssyncset.done $0x0  }
0x98: {  	[sflag:s10] =	ssyncadd.s32 $0xFFFFD800  }
0x99: {  	_ =	swait.ge [sflag:s11], $0x80  }
0x9a: {  	[sflag:s11] =	ssyncset.done $0x0  }
0x9b: {  	[sflag:s11] =	ssyncadd.s32 $0xFFFFFF80  }
0x9c: {  	[spmem:s2] =	stream.indirect.scatter.add.f32 [tilespmem:s3], [sflag:$0x9], $0x80, s31, s12, $0xb8;
	[tilespmem:$0x1DA80] =	vst v63  }
0x9d: {  	_ =	swait.ge [sflag:s30], $0x2800  }
0x9e: {  	s23 =	sshrl.u32 s26, $0x3;
	[sflag:s30] =	ssyncset.done $0x0  }
0x9f: {  	s23 =	sadd.s32 s4, s23;
	[sflag:s30] =	ssyncadd.s32 $0xFFFFD800  }
0xa0: {  	[tilespmem:s3], [sflag:$0x1] =	stream.linear.gather [hbm4b:s23+s3], $0x2800, $0x38;
	[tilespmem:$0x1DA80] =	vst v63  }
0xa1: {  	s23 =	sadd.s32 s22, s15  }
0xa2: {  	s28 =	sadd.s32 $0x40, s23  }
0xa3: {  	[tilespmem:s31], [sflag:$0x5] =	stream.linear.gather [hbm4b:s28+s3], $0x80, $0x38;
	[tilespmem:$0x1DA80] =	vst v63  }
0xa4: {  	_ =	swait.ge [sflag:s13], $0x2800  }
0xa5: {  	[sflag:s13] =	ssyncset.done $0x0  }
0xa6: {  	[sflag:s13] =	ssyncadd.s32 $0xFFFFD800  }
0xa7: {  	_ =	swait.ge [sflag:s16], $0x80  }
0xa8: {  	[sflag:s16] =	ssyncset.done $0x0  }
0xa9: {  	[sflag:s16] =	ssyncadd.s32 $0xFFFFFF80  }
0xaa: {  	[spmem:s2] =	stream.indirect.scatter.add.f32 [tilespmem:s0], [sflag:$0x9], $0x80, s1, s12, $0xb8;
	[tilespmem:$0x1DA80] =	vst v63  }
0xab: {  	_ =	swait.ge [sflag:s30], $0x2800  }
0xac: {  	[sflag:s30] =	ssyncset.done $0x0  }
0xad: {  	[sflag:s30] =	ssyncadd.s32 $0xFFFFD800  }
0xae: {  	[tilespmem:s0], [sflag:$0x2] =	stream.linear.gather [hbm4b:s14+s3], $0x2800, $0x38;
	[tilespmem:$0x1DA80] =	vst v63  }
0xaf: {  	s28 =	sadd.s32 $0x50, s23  }
0xb0: {  	[tilespmem:s1], [sflag:$0x6] =	stream.linear.gather [hbm4b:s28+s3], $0x80, $0x38;
	[tilespmem:$0x1DA80] =	vst v63  }
0xb1: {  	_ =	swait.ge [sflag:s17], $0x2800  }
0xb2: {  	[sflag:s17] =	ssyncset.done $0x0  }
0xb3: {  	[sflag:s17] =	ssyncadd.s32 $0xFFFFD800  }
0xb4: {  	_ =	swait.ge [sflag:s18], $0x80  }
0xb5: {  	p1 =	seq.s32 s22, $0xF40;
	[sflag:s18] =	ssyncset.done $0x0  }
.Ltmp3:
0xb6: {  	[sflag:s18] =	ssyncadd.s32 $0xFFFFFF80;
	(pc) =	sbr.rel @p1 .LBB2_6-.Ltmp3, $4  }
0xb7: {  	[spmem:s2] =	stream.indirect.scatter.add.f32 [tilespmem:s6], [sflag:$0x9], $0x80, s7, s12, $0xb8;
	[tilespmem:$0x1DA80] =	vst v63  }
0xb8: {  	_ =	swait.ge [sflag:s30], $0x2800  }
0xb9: {  	[sflag:s30] =	ssyncset.done $0x0  }
0xba: {  	[sflag:s30] =	ssyncadd.s32 $0xFFFFD800  }
0xbb: {  	[tilespmem:s6], [sflag:$0x3] =	stream.linear.gather [hbm4b:s24+s3], $0x2800, $0x38;
	[tilespmem:$0x1DA80] =	vst v63  }
0xbc: {  	s28 =	sadd.s32 $0x60, s23  }
0xbd: {  	[tilespmem:s7], [sflag:$0x7] =	stream.linear.gather [hbm4b:s28+s3], $0x80, $0x38;
	[tilespmem:$0x1DA80] =	vst v63  }
0xbe: {  	_ =	swait.ge [sflag:s19], $0x2800  }
0xbf: {  	[sflag:s19] =	ssyncset.done $0x0  }
0xc0: {  	[sflag:s19] =	ssyncadd.s32 $0xFFFFD800  }
0xc1: {  	_ =	swait.ge [sflag:s20], $0x80  }
0xc2: {  	[sflag:s20] =	ssyncset.done $0x0  }
0xc3: {  	[sflag:s20] =	ssyncadd.s32 $0xFFFFFF80  }
0xc4: {  	[spmem:s2] =	stream.indirect.scatter.add.f32 [tilespmem:s8], [sflag:$0x9], $0x80, s9, s12, $0xb8;
	[tilespmem:$0x1DA80] =	vst v63  }
0xc5: {  	_ =	swait.ge [sflag:s30], $0x2800  }
.Ltmp4:
0xc6: {  	s26 =	sadd.s32 $0xA000, s26;
	[sflag:s30] =	ssyncset.done $0x0;
	(pc) =	sbr.rel .LBB2_4-.Ltmp4, $4  }
0xc7: {  	s22 =	sadd.s32 $0x40, s22;
	s14 =	sadd.s32 $0x1400, s14;
	[sflag:s30] =	ssyncadd.s32 $0xFFFFD800  }
0xc8: {  	[tilespmem:s8], [sflag:$0x4] =	stream.linear.gather [hbm4b:s25+s3], $0x2800, $0x38;
	[tilespmem:$0x1DA80] =	vst v63  }
0xc9: {  	s24 =	sadd.s32 $0x1400, s24;
	s28 =	sadd.s32 $0x70, s23;
	s25 =	sadd.s32 $0x1400, s25  }
0xca: {  	[tilespmem:s9], [sflag:$0x8] =	stream.linear.gather [hbm4b:s28+s3], $0x80, $0x38;
	[tilespmem:$0x1DA80] =	vst v63  }
.LBB2_7:
0xcb: {  	_ =	sfence.sel $0x180000  }
0xcc: {  	[bflag:$0x0] =	sbarrier.arrive $0xFFFF  }
0xcd: {  	_ =	strace $0x90000047  }
0xce: {  	s0 =	stileid.u32;
	[bflag:$0x2] =	sbarrier.arrive $0xFFFF  }
0xcf: {  	p0 =	sne.s32 s0, $0x0;
	s0 =	rddreg [dreg:$0x3]  }
0xd0: {  	s0 =	sadd.s32 @!p0 $0x100000, s0  }
0xd1: {  	[sflag:s0] =	ssyncadd.tile.s32 @!p0 $0x1;
	_ =	shalt  }
.Lfunc_end2:
_tile_overlayer_lowered:
.L_overlay_start_2:
0xd2: {  	(tag) =	ssettag $0x2  }
0xd3: {  	s0 =	rddreg [dreg:$0x0];
	s2 =	stileid.u32  }
0xd4: {  	s1 =	rddreg [dreg:$0x1];
	p0 =	sne.s32 s2, $0x0  }
0xd5: {  	s3 =	rddreg [dreg:$0x2];
	[bflag:$0x3] =	sbarrier.arrive $0xFFFF;
	s2 =	simm.s32 @!p0 $0x1C09  }
0xd6: {  	[timem:s3], [sflag:s2] =	dma.local @!p0 [hbm:s0], s1  }
0xd7: {  	s0 =	simm.s32 @!p0 $0x9  }
0xd8: {  	_ =	swait.ge @!p0 [sflag:s0], s1  }
0xd9: {  	s1 =	ssub.s32 @!p0 $0x0, s1;
	[sflag:s0] =	ssyncset.done @!p0 $0x0  }
0xda: {  	[sflag:s0] =	ssyncadd.s32 @!p0 s1  }
0xdb: {  	[bflag:$0x3] =	sbarrier.arrive $0xFFFF  }
0xdc: {  	_ =	shalt  }

</sc_bundles>
